<compile_context>
chip_gen: v7x
topology: tpu7x:2x2x1
jax: 0.10.2.dev20260603
libtpu: 0.0.44.dev20260713+nightly
codegen_flags: <defaults>
</compile_context>

<pallas_src>
import functools

import jax
import jax.numpy as jnp
from jax import lax
from jax.experimental import pallas as pl
from jax.experimental.pallas import tpu as pltpu
from jax.experimental.pallas import tpu_sc as plsc

N_TOKENS = 32768
D = 128
N_MOLS = 16
L = 16
NV = D // L
CH = 128
NBUF = 4


def _sc_body(ah, starts_hbm, sizes_hbm, out, buf, acc_v, t0, t1, scope_v,
             shared, *sems):
    c = lax.axis_index("c")
    s = lax.axis_index("s")

    pltpu.sync_copy(starts_hbm, scope_v.at[0, pl.ds(0, N_MOLS)])
    pltpu.sync_copy(sizes_hbm, scope_v.at[1, pl.ds(0, N_MOLS)])

    def _at(row, idx):
        return scope_v[row, pl.ds(idx, L)][0]

    m = c * 8 + s // 2
    h = s % 2
    start = _at(0, m)
    size = _at(1, m)
    half = size // 2
    a = start + h * half
    b = a + half + h * (size - 2 * half)
    a8 = (a // 8) * 8
    nch = (b - a8 + CH - 1) // CH

    def _offc(k):
        return jnp.minimum(a8 + k * CH, N_TOKENS - CH)

    def _dma_start(k, buf_ref, sem):
        @pl.when(k < nch)
        def _():
            pltpu.async_copy(ah.at[pl.ds(_offc(k), CH), :], buf_ref, sem)

    def _dma_wait(k, buf_ref, sem):
        @pl.when(k < nch)
        def _():
            pltpu.make_async_copy(ah.at[pl.ds(0, CH), :], buf_ref, sem).wait()

    def _accumulate(k, buf_ref, carry):
        off = a8 + k * CH
        rel_lo = jnp.maximum(a, off) - _offc(k)
        rel_hi = jnp.minimum(b, off + CH) - _offc(k)

        def row_body(r, acc):
            return tuple(acc[kk] + buf_ref[r, pl.ds(kk * L, L)]
                         for kk in range(NV))

        return plsc.parallel_loop(rel_lo, rel_hi, step=1, unroll=4,
                                  carry=carry)(row_body)

    for bslot in range(NBUF):
        _dma_start(bslot, buf.at[bslot], sems[bslot])

    def ring_body(j, carry):
        k0 = NBUF * j
        for bslot in range(NBUF):
            k = k0 + bslot
            _dma_wait(k, buf.at[bslot], sems[bslot])
            carry = _accumulate(k, buf.at[bslot], carry)
            _dma_start(k + NBUF, buf.at[bslot], sems[bslot])
        return carry

    zeros = tuple(jnp.zeros((L,), jnp.float32) for _ in range(NV))
    accs = lax.fori_loop(0, (nch + NBUF - 1) // NBUF, ring_body, zeros)
    for k in range(NV):
        acc_v[pl.ds(k * L, L)] = accs[k]

    pltpu.sync_copy(acc_v, shared.at[s])
    plsc.subcore_barrier()

    @pl.when(s < 8)
    def _():
        pltpu.sync_copy(shared.at[2 * s], t0)
        pltpu.sync_copy(shared.at[2 * s + 1], t1)
        mrow = c * 8 + s
        szvec = jnp.full((L,), _at(1, mrow)).astype(jnp.float32)
        for k in range(NV):
            sl = pl.ds(k * L, L)
            t0[sl] = (t0[sl] + t1[sl]) / szvec
        pltpu.sync_copy(t0, out.at[pl.ds(mrow * D, D)])


_seg_mean = functools.partial(
    pl.kernel,
    out_type=jax.ShapeDtypeStruct((N_MOLS * D,), jnp.float32),
    mesh=plsc.VectorSubcoreMesh(core_axis_name="c", subcore_axis_name="s"),
    compiler_params=pltpu.CompilerParams(use_tc_tiling_on_sc=False),
    scratch_types=[
        pltpu.VMEM((NBUF, CH, D), jnp.float32),
        pltpu.VMEM((D,), jnp.float32),
        pltpu.VMEM((D,), jnp.float32),
        pltpu.VMEM((D,), jnp.float32),
        pltpu.VMEM((2, 2 * L), jnp.int32),
        pltpu.VMEM_SHARED((N_MOLS, D), jnp.float32),
    ] + [pltpu.SemaphoreType.DMA] * NBUF,
)(_sc_body)


def kernel(atom_hiddens, a_scope):
    starts = a_scope[:, 0]
    sizes = a_scope[:, 1]
    return _seg_mean(atom_hiddens, starts, sizes).reshape(N_MOLS, D)

# --- scband reference (transcript-rebuilt; emitter-appended) ---
"""Pipeline reference for scband-mean-aggregator-65146063945866 (READ-ONLY COPY).

The authoritative reference and input builder live on the scoring server;
editing this copy changes nothing except your own understanding.
"""

import jax, jax.numpy as jnp
import numpy as np

N_TOKENS = 32768
N_MOLS = 16
D = 128


def _make_scope():
    # Ragged segment sizes that exactly partition [0, N_TOKENS), each >= 1.
    rng = np.random.default_rng(0)
    sizes = rng.multinomial(N_TOKENS - N_MOLS, np.ones(N_MOLS) / N_MOLS) + 1
    starts = np.concatenate([[0], np.cumsum(sizes)[:-1]])
    return jnp.asarray(np.stack([starts, sizes], axis=1), dtype=jnp.int32)


def setup_inputs(seed: int = 0) -> dict:
    key = jax.random.key(seed)
    atom_hiddens = jax.random.normal(key, (N_TOKENS, D), dtype=jnp.float32)
    a_scope = _make_scope()  # [N_MOLS, 2] rows of (a_start, a_size)
    return {"atom_hiddens": atom_hiddens, "a_scope": a_scope}


def reference(atom_hiddens, a_scope):
    # MeanAggregator: for each (a_start, a_size) take the mean over that
    # contiguous slab of atom rows. Scopes partition the token axis, so this
    # is exactly a segment-mean via segment_sum / sizes.
    n_mols = a_scope.shape[0]
    sizes = a_scope[:, 1]
    segment_ids = jnp.repeat(
        jnp.arange(n_mols, dtype=jnp.int32),
        sizes,
        total_repeat_length=atom_hiddens.shape[0],
    )
    sums = jax.ops.segment_sum(atom_hiddens, segment_ids, num_segments=n_mols)
    mol_vecs = sums / sizes[:, None].astype(atom_hiddens.dtype)
    return mol_vecs

if __name__ == "__main__":
    import jax
    _d = setup_inputs()
    print(jax.jit(kernel)(*tuple(_d.values())))

</pallas_src>

<mosaic_0001>
#map = affine_map<(d0, d1) -> (0, 0)>
#map1 = affine_map<(d0, d1) -> (0)>
module attributes {stable_mosaic.version = 14 : i64} {
  func.func @_sc_body(%arg0: i32, %arg1: i32, %arg2: memref<32768x128xf32, #tpu.memory_space<hbm>>, %arg3: memref<16xi32, #tpu.memory_space<hbm>>, %arg4: memref<16xi32, #tpu.memory_space<hbm>>, %arg5: memref<2048xf32, #tpu.memory_space<hbm>>, %arg6: memref<4x128x128xf32, #tpu.memory_space<vmem>>, %arg7: memref<128xf32, #tpu.memory_space<vmem>>, %arg8: memref<128xf32, #tpu.memory_space<vmem>>, %arg9: memref<128xf32, #tpu.memory_space<vmem>>, %arg10: memref<2x32xi32, #tpu.memory_space<vmem>>, %arg11: memref<16x128xf32, #tpu.memory_space<vmem_shared>>, %arg12: memref<!tpu.dma_semaphore, #tpu.memory_space<semaphore_mem>>, %arg13: memref<!tpu.dma_semaphore, #tpu.memory_space<semaphore_mem>>, %arg14: memref<!tpu.dma_semaphore, #tpu.memory_space<semaphore_mem>>, %arg15: memref<!tpu.dma_semaphore, #tpu.memory_space<semaphore_mem>>) attributes {dimension_semantics = [#tpu.dimension_semantics<core_parallel>, #tpu.dimension_semantics<subcore_parallel>], iteration_bounds = array<i64: 2, 16>, scalar_prefetch = 0 : i64, scratch_operands = 10 : i64, tpu.core_type = #tpu.core_type<sc_vector_subcore>, window_params = [{transform_indices = #map}, {transform_indices = #map1}, {transform_indices = #map1}, {transform_indices = #map1}]} {
    %run_scoped3A = arith.constant 0 : i32
    "tpu.region"() ({
      %run_scoped3A_240 = tpu.sem_alloc : memref<!tpu.dma_semaphore, #tpu.memory_space<semaphore_mem>>
      %dma_start3A = arith.constant 0 : i32
      %dma_start3A_241 = tpu.memref_slice %arg10[%run_scoped3A, %dma_start3A] : memref<2x32xi32, #tpu.memory_space<vmem>> -> memref<1x16xi32, #tpu.memory_space<vmem>>
      %dma_start3A_242 = tpu.memref_squeeze %dma_start3A_241 : memref<1x16xi32, #tpu.memory_space<vmem>> -> memref<16xi32, #tpu.memory_space<vmem>>
      %dma_start3A_243 = arith.constant 0 : i32
      %dma_start3A_244 = tpu.memref_slice %arg10[%run_scoped3A, %dma_start3A_243] : memref<2x32xi32, #tpu.memory_space<vmem>> -> memref<1x16xi32, #tpu.memory_space<vmem>>
      %dma_start3A_245 = tpu.memref_squeeze %dma_start3A_244 : memref<1x16xi32, #tpu.memory_space<vmem>> -> memref<16xi32, #tpu.memory_space<vmem>>
      tpu.enqueue_dma source(%arg3 : memref<16xi32, #tpu.memory_space<hbm>>) target(%dma_start3A_245 : memref<16xi32, #tpu.memory_space<vmem>>) target_semaphore(%run_scoped3A_240 : memref<!tpu.dma_semaphore, #tpu.memory_space<semaphore_mem>>)
      %dma_wait3A = arith.constant 0 : i32
      %dma_wait3A_246 = tpu.memref_slice %arg10[%run_scoped3A, %dma_wait3A] : memref<2x32xi32, #tpu.memory_space<vmem>> -> memref<1x16xi32, #tpu.memory_space<vmem>>
      %dma_wait3A_247 = tpu.memref_squeeze %dma_wait3A_246 : memref<1x16xi32, #tpu.memory_space<vmem>> -> memref<16xi32, #tpu.memory_space<vmem>>
      %dma_wait3A_248 = arith.constant 0 : i32
      %dma_wait3A_249 = tpu.memref_slice %arg10[%run_scoped3A, %dma_wait3A_248] : memref<2x32xi32, #tpu.memory_space<vmem>> -> memref<1x16xi32, #tpu.memory_space<vmem>>
      %dma_wait3A_250 = tpu.memref_squeeze %dma_wait3A_249 : memref<1x16xi32, #tpu.memory_space<vmem>> -> memref<16xi32, #tpu.memory_space<vmem>>
      tpu.wait_dma2 semaphore(%run_scoped3A_240 : memref<!tpu.dma_semaphore, #tpu.memory_space<semaphore_mem>>) src(%arg3 : memref<16xi32, #tpu.memory_space<hbm>>) dst(%dma_wait3A_250 : memref<16xi32, #tpu.memory_space<vmem>>)
      tpu.yield
    }) : () -> ()
    %run_scoped3A_0 = arith.constant 1 : i32
    "tpu.region"() ({
      %run_scoped3A_240 = tpu.sem_alloc : memref<!tpu.dma_semaphore, #tpu.memory_space<semaphore_mem>>
      %dma_start3A = arith.constant 0 : i32
      %dma_start3A_241 = tpu.memref_slice %arg10[%run_scoped3A_0, %dma_start3A] : memref<2x32xi32, #tpu.memory_space<vmem>> -> memref<1x16xi32, #tpu.memory_space<vmem>>
      %dma_start3A_242 = tpu.memref_squeeze %dma_start3A_241 : memref<1x16xi32, #tpu.memory_space<vmem>> -> memref<16xi32, #tpu.memory_space<vmem>>
      %dma_start3A_243 = arith.constant 0 : i32
      %dma_start3A_244 = tpu.memref_slice %arg10[%run_scoped3A_0, %dma_start3A_243] : memref<2x32xi32, #tpu.memory_space<vmem>> -> memref<1x16xi32, #tpu.memory_space<vmem>>
      %dma_start3A_245 = tpu.memref_squeeze %dma_start3A_244 : memref<1x16xi32, #tpu.memory_space<vmem>> -> memref<16xi32, #tpu.memory_space<vmem>>
      tpu.enqueue_dma source(%arg4 : memref<16xi32, #tpu.memory_space<hbm>>) target(%dma_start3A_245 : memref<16xi32, #tpu.memory_space<vmem>>) target_semaphore(%run_scoped3A_240 : memref<!tpu.dma_semaphore, #tpu.memory_space<semaphore_mem>>)
      %dma_wait3A = arith.constant 0 : i32
      %dma_wait3A_246 = tpu.memref_slice %arg10[%run_scoped3A_0, %dma_wait3A] : memref<2x32xi32, #tpu.memory_space<vmem>> -> memref<1x16xi32, #tpu.memory_space<vmem>>
      %dma_wait3A_247 = tpu.memref_squeeze %dma_wait3A_246 : memref<1x16xi32, #tpu.memory_space<vmem>> -> memref<16xi32, #tpu.memory_space<vmem>>
      %dma_wait3A_248 = arith.constant 0 : i32
      %dma_wait3A_249 = tpu.memref_slice %arg10[%run_scoped3A_0, %dma_wait3A_248] : memref<2x32xi32, #tpu.memory_space<vmem>> -> memref<1x16xi32, #tpu.memory_space<vmem>>
      %dma_wait3A_250 = tpu.memref_squeeze %dma_wait3A_249 : memref<1x16xi32, #tpu.memory_space<vmem>> -> memref<16xi32, #tpu.memory_space<vmem>>
      tpu.wait_dma2 semaphore(%run_scoped3A_240 : memref<!tpu.dma_semaphore, #tpu.memory_space<semaphore_mem>>) src(%arg4 : memref<16xi32, #tpu.memory_space<hbm>>) dst(%dma_wait3A_250 : memref<16xi32, #tpu.memory_space<vmem>>)
      tpu.yield
    }) : () -> ()
    %mul3A = arith.constant 8 : i32
    %mul3A_1 = arith.muli %arg0, %mul3A : i32
    %jit3A = arith.constant 2 : i32
    %div3A = arith.divsi %arg1, %jit3A : i32
    %sign3A = arith.constant 0 : i32
    %sign3A_2 = arith.cmpi sgt, %arg1, %sign3A : i32
    %sign3A_3 = arith.extui %sign3A_2 : i1 to i32
    %sign3A_4 = arith.constant 0 : i32
    %sign3A_5 = arith.cmpi slt, %arg1, %sign3A_4 : i32
    %sign3A_6 = arith.extui %sign3A_5 : i1 to i32
    %sign3A_7 = arith.subi %sign3A_3, %sign3A_6 : i32
    %sign3A_8 = arith.constant 0 : i32
    %sign3A_9 = arith.cmpi sgt, %jit3A, %sign3A_8 : i32
    %sign3A_10 = arith.extui %sign3A_9 : i1 to i32
    %sign3A_11 = arith.constant 0 : i32
    %sign3A_12 = arith.cmpi slt, %jit3A, %sign3A_11 : i32
    %sign3A_13 = arith.extui %sign3A_12 : i1 to i32
    %sign3A_14 = arith.subi %sign3A_10, %sign3A_13 : i32
    %ne3A = arith.cmpi ne, %sign3A_7, %sign3A_14 : i32
    %rem3A = arith.remsi %arg1, %jit3A : i32
    %ne3A_15 = arith.constant 0 : i32
    %ne3A_16 = arith.cmpi ne, %rem3A, %ne3A_15 : i32
    %and3A = arith.andi %ne3A, %ne3A_16 : i1
    %sub3A = arith.constant 1 : i32
    %sub3A_17 = arith.subi %div3A, %sub3A : i32
    %select_n3A = arith.select %and3A, %sub3A_17, %div3A : i32
    %add3A = arith.addi %mul3A_1, %select_n3A : i32
    %jit3A_18 = arith.constant 2 : i32
    %eq3A = arith.constant 0 : i32
    %eq3A_19 = arith.cmpi eq, %jit3A_18, %eq3A : i32
    %jit3A_20 = arith.constant 1 : i32
    %select_n3A_21 = arith.select %eq3A_19, %jit3A_20, %jit3A_18 : i32
    %rem3A_22 = arith.remsi %arg1, %select_n3A_21 : i32
    %ne3A_23 = arith.constant 0 : i32
    %ne3A_24 = arith.cmpi ne, %rem3A_22, %ne3A_23 : i32
    %lt3A = arith.constant 0 : i32
    %lt3A_25 = arith.cmpi slt, %rem3A_22, %lt3A : i32
    %lt3A_26 = arith.constant 0 : i32
    %lt3A_27 = arith.cmpi slt, %select_n3A_21, %lt3A_26 : i32
    %ne3A_28 = arith.xori %lt3A_25, %lt3A_27 : i1
    %and3A_29 = arith.andi %ne3A_28, %ne3A_24 : i1
    %add3A_30 = arith.addi %rem3A_22, %select_n3A_21 : i32
    %select_n3A_31 = arith.select %and3A_29, %add3A_30, %rem3A_22 : i32
    %get3A = arith.constant 0 : i32
    %get3A_32 = arith.index_cast %get3A : i32 to index
    %get3A_33 = arith.index_cast %add3A : i32 to index
    %get3A_34 = tpu.vector_load %arg10[%get3A_32, %get3A_33] {strides = array<i32>} : memref<2x32xi32, #tpu.memory_space<vmem>>, vector<1x16xi32>,
    %get3A_35 = vector.shape_cast %get3A_34 : vector<1x16xi32> to vector<16xi32>
    %slice3A = vector.extract_strided_slice %get3A_35 {offsets = [0], sizes = [1], strides = [1]} : vector<16xi32> to vector<1xi32>
    %squeeze3A = vector.extract %slice3A[0] : i32 from vector<1xi32>
    %get3A_36 = arith.constant 1 : i32
    %get3A_37 = arith.index_cast %get3A_36 : i32 to index
    %get3A_38 = arith.index_cast %add3A : i32 to index
    %get3A_39 = tpu.vector_load %arg10[%get3A_37, %get3A_38] {strides = array<i32>} : memref<2x32xi32, #tpu.memory_space<vmem>>, vector<1x16xi32>,
    %get3A_40 = vector.shape_cast %get3A_39 : vector<1x16xi32> to vector<16xi32>
    %slice3A_41 = vector.extract_strided_slice %get3A_40 {offsets = [0], sizes = [1], strides = [1]} : vector<16xi32> to vector<1xi32>
    %squeeze3A_42 = vector.extract %slice3A_41[0] : i32 from vector<1xi32>
    %jit3A_43 = arith.constant 2 : i32
    %div3A_44 = arith.divsi %squeeze3A_42, %jit3A_43 : i32
    %sign3A_45 = arith.constant 0 : i32
    %sign3A_46 = arith.cmpi sgt, %squeeze3A_42, %sign3A_45 : i32
    %sign3A_47 = arith.extui %sign3A_46 : i1 to i32
    %sign3A_48 = arith.constant 0 : i32
    %sign3A_49 = arith.cmpi slt, %squeeze3A_42, %sign3A_48 : i32
    %sign3A_50 = arith.extui %sign3A_49 : i1 to i32
    %sign3A_51 = arith.subi %sign3A_47, %sign3A_50 : i32
    %sign3A_52 = arith.constant 0 : i32
    %sign3A_53 = arith.cmpi sgt, %jit3A_43, %sign3A_52 : i32
    %sign3A_54 = arith.extui %sign3A_53 : i1 to i32
    %sign3A_55 = arith.constant 0 : i32
    %sign3A_56 = arith.cmpi slt, %jit3A_43, %sign3A_55 : i32
    %sign3A_57 = arith.extui %sign3A_56 : i1 to i32
    %sign3A_58 = arith.subi %sign3A_54, %sign3A_57 : i32
    %ne3A_59 = arith.cmpi ne, %sign3A_51, %sign3A_58 : i32
    %rem3A_60 = arith.remsi %squeeze3A_42, %jit3A_43 : i32
    %ne3A_61 = arith.constant 0 : i32
    %ne3A_62 = arith.cmpi ne, %rem3A_60, %ne3A_61 : i32
    %and3A_63 = arith.andi %ne3A_59, %ne3A_62 : i1
    %sub3A_64 = arith.constant 1 : i32
    %sub3A_65 = arith.subi %div3A_44, %sub3A_64 : i32
    %select_n3A_66 = arith.select %and3A_63, %sub3A_65, %div3A_44 : i32
    %mul3A_67 = arith.muli %select_n3A_31, %select_n3A_66 : i32
    %add3A_68 = arith.addi %squeeze3A, %mul3A_67 : i32
    %add3A_69 = arith.addi %add3A_68, %select_n3A_66 : i32
    %mul3A_70 = arith.constant 2 : i32
    %mul3A_71 = arith.muli %mul3A_70, %select_n3A_66 : i32
    %sub3A_72 = arith.subi %squeeze3A_42, %mul3A_71 : i32
    %mul3A_73 = arith.muli %select_n3A_31, %sub3A_72 : i32
    %add3A_74 = arith.addi %add3A_69, %mul3A_73 : i32
    %jit3A_75 = arith.constant 8 : i32
    %div3A_76 = arith.divsi %add3A_68, %jit3A_75 : i32
    %sign3A_77 = arith.constant 0 : i32
    %sign3A_78 = arith.cmpi sgt, %add3A_68, %sign3A_77 : i32
    %sign3A_79 = arith.extui %sign3A_78 : i1 to i32
    %sign3A_80 = arith.constant 0 : i32
    %sign3A_81 = arith.cmpi slt, %add3A_68, %sign3A_80 : i32
    %sign3A_82 = arith.extui %sign3A_81 : i1 to i32
    %sign3A_83 = arith.subi %sign3A_79, %sign3A_82 : i32
    %sign3A_84 = arith.constant 0 : i32
    %sign3A_85 = arith.cmpi sgt, %jit3A_75, %sign3A_84 : i32
    %sign3A_86 = arith.extui %sign3A_85 : i1 to i32
    %sign3A_87 = arith.constant 0 : i32
    %sign3A_88 = arith.cmpi slt, %jit3A_75, %sign3A_87 : i32
    %sign3A_89 = arith.extui %sign3A_88 : i1 to i32
    %sign3A_90 = arith.subi %sign3A_86, %sign3A_89 : i32
    %ne3A_91 = arith.cmpi ne, %sign3A_83, %sign3A_90 : i32
    %rem3A_92 = arith.remsi %add3A_68, %jit3A_75 : i32
    %ne3A_93 = arith.constant 0 : i32
    %ne3A_94 = arith.cmpi ne, %rem3A_92, %ne3A_93 : i32
    %and3A_95 = arith.andi %ne3A_91, %ne3A_94 : i1
    %sub3A_96 = arith.constant 1 : i32
    %sub3A_97 = arith.subi %div3A_76, %sub3A_96 : i32
    %select_n3A_98 = arith.select %and3A_95, %sub3A_97, %div3A_76 : i32
    %mul3A_99 = arith.constant 8 : i32
    %mul3A_100 = arith.muli %select_n3A_98, %mul3A_99 : i32
    %sub3A_101 = arith.subi %add3A_74, %mul3A_100 : i32
    %add3A_102 = arith.constant 128 : i32
    %add3A_103 = arith.addi %sub3A_101, %add3A_102 : i32
    %sub3A_104 = arith.constant 1 : i32
    %sub3A_105 = arith.subi %add3A_103, %sub3A_104 : i32
    %jit3A_106 = arith.constant 128 : i32
    %div3A_107 = arith.divsi %sub3A_105, %jit3A_106 : i32
    %sign3A_108 = arith.constant 0 : i32
    %sign3A_109 = arith.cmpi sgt, %sub3A_105, %sign3A_108 : i32
    %sign3A_110 = arith.extui %sign3A_109 : i1 to i32
    %sign3A_111 = arith.constant 0 : i32
    %sign3A_112 = arith.cmpi slt, %sub3A_105, %sign3A_111 : i32
    %sign3A_113 = arith.extui %sign3A_112 : i1 to i32
    %sign3A_114 = arith.subi %sign3A_110, %sign3A_113 : i32
    %sign3A_115 = arith.constant 0 : i32
    %sign3A_116 = arith.cmpi sgt, %jit3A_106, %sign3A_115 : i32
    %sign3A_117 = arith.extui %sign3A_116 : i1 to i32
    %sign3A_118 = arith.constant 0 : i32
    %sign3A_119 = arith.cmpi slt, %jit3A_106, %sign3A_118 : i32
    %sign3A_120 = arith.extui %sign3A_119 : i1 to i32
    %sign3A_121 = arith.subi %sign3A_117, %sign3A_120 : i32
    %ne3A_122 = arith.cmpi ne, %sign3A_114, %sign3A_121 : i32
    %rem3A_123 = arith.remsi %sub3A_105, %jit3A_106 : i32
    %ne3A_124 = arith.constant 0 : i32
    %ne3A_125 = arith.cmpi ne, %rem3A_123, %ne3A_124 : i32
    %and3A_126 = arith.andi %ne3A_122, %ne3A_125 : i1
    %sub3A_127 = arith.constant 1 : i32
    %sub3A_128 = arith.subi %div3A_107, %sub3A_127 : i32
    %select_n3A_129 = arith.select %and3A_126, %sub3A_128, %div3A_107 : i32
    %gt3A = arith.constant 0 : i32
    %gt3A_130 = arith.cmpi sgt, %select_n3A_129, %gt3A : i32
    %convert_element_type3A = arith.extui %gt3A_130 : i1 to i32
    %cond3A = arith.constant 0 : i32
    %cond3A_131 = arith.constant 0 : i32
    %cond3A_132 = arith.cmpi ne, %convert_element_type3A, %cond3A_131 : i32
    scf.if %cond3A_132 {
      %add3A_240 = arith.constant 0 : i32
      %add3A_241 = arith.addi %mul3A_100, %add3A_240 : i32
      %min3A = arith.constant 32640 : i32
      %min3A_242 = arith.minsi %add3A_241, %min3A : i32
      %dma_start3A = arith.constant 0 : i32
      %dma_start3A_243 = arith.constant 0 : i32
      %dma_start3A_244 = tpu.memref_slice %arg6[%cond3A, %dma_start3A, %dma_start3A_243] : memref<4x128x128xf32, #tpu.memory_space<vmem>> -> memref<1x128x128xf32, #tpu.memory_space<vmem>>
      %dma_start3A_245 = tpu.memref_squeeze %dma_start3A_244 : memref<1x128x128xf32, #tpu.memory_space<vmem>> -> memref<128x128xf32, #tpu.memory_space<vmem>>
      %dma_start3A_246 = arith.constant 0 : i32
      %dma_start3A_247 = tpu.memref_slice %arg2[%min3A_242, %dma_start3A_246] : memref<32768x128xf32, #tpu.memory_space<hbm>> -> memref<128x128xf32, #tpu.memory_space<hbm>>
      %dma_start3A_248 = arith.constant 0 : i32
      %dma_start3A_249 = arith.constant 0 : i32
      %dma_start3A_250 = tpu.memref_slice %arg6[%cond3A, %dma_start3A_248, %dma_start3A_249] : memref<4x128x128xf32, #tpu.memory_space<vmem>> -> memref<1x128x128xf32, #tpu.memory_space<vmem>>
      %dma_start3A_251 = tpu.memref_squeeze %dma_start3A_250 : memref<1x128x128xf32, #tpu.memory_space<vmem>> -> memref<128x128xf32, #tpu.memory_space<vmem>>
      %dma_start3A_252 = arith.constant 0 : i32
      %dma_start3A_253 = tpu.memref_slice %arg2[%min3A_242, %dma_start3A_252] : memref<32768x128xf32, #tpu.memory_space<hbm>> -> memref<128x128xf32, #tpu.memory_space<hbm>>
      tpu.enqueue_dma source(%dma_start3A_253 : memref<128x128xf32, #tpu.memory_space<hbm>>) target(%dma_start3A_251 : memref<128x128xf32, #tpu.memory_space<vmem>>) target_semaphore(%arg12 : memref<!tpu.dma_semaphore, #tpu.memory_space<semaphore_mem>>)
    } else {
    }
    %gt3A_133 = arith.constant 1 : i32
    %gt3A_134 = arith.cmpi sgt, %select_n3A_129, %gt3A_133 : i32
    %convert_element_type3A_135 = arith.extui %gt3A_134 : i1 to i32
    %cond3A_136 = arith.constant 1 : i32
    %cond3A_137 = arith.constant 0 : i32
    %cond3A_138 = arith.cmpi ne, %convert_element_type3A_135, %cond3A_137 : i32
    scf.if %cond3A_138 {
      %add3A_240 = arith.constant 128 : i32
      %add3A_241 = arith.addi %mul3A_100, %add3A_240 : i32
      %min3A = arith.constant 32640 : i32
      %min3A_242 = arith.minsi %add3A_241, %min3A : i32
      %dma_start3A = arith.constant 0 : i32
      %dma_start3A_243 = arith.constant 0 : i32
      %dma_start3A_244 = tpu.memref_slice %arg6[%cond3A_136, %dma_start3A, %dma_start3A_243] : memref<4x128x128xf32, #tpu.memory_space<vmem>> -> memref<1x128x128xf32, #tpu.memory_space<vmem>>
      %dma_start3A_245 = tpu.memref_squeeze %dma_start3A_244 : memref<1x128x128xf32, #tpu.memory_space<vmem>> -> memref<128x128xf32, #tpu.memory_space<vmem>>
      %dma_start3A_246 = arith.constant 0 : i32
      %dma_start3A_247 = tpu.memref_slice %arg2[%min3A_242, %dma_start3A_246] : memref<32768x128xf32, #tpu.memory_space<hbm>> -> memref<128x128xf32, #tpu.memory_space<hbm>>
      %dma_start3A_248 = arith.constant 0 : i32
      %dma_start3A_249 = arith.constant 0 : i32
      %dma_start3A_250 = tpu.memref_slice %arg6[%cond3A_136, %dma_start3A_248, %dma_start3A_249] : memref<4x128x128xf32, #tpu.memory_space<vmem>> -> memref<1x128x128xf32, #tpu.memory_space<vmem>>
      %dma_start3A_251 = tpu.memref_squeeze %dma_start3A_250 : memref<1x128x128xf32, #tpu.memory_space<vmem>> -> memref<128x128xf32, #tpu.memory_space<vmem>>
      %dma_start3A_252 = arith.constant 0 : i32
      %dma_start3A_253 = tpu.memref_slice %arg2[%min3A_242, %dma_start3A_252] : memref<32768x128xf32, #tpu.memory_space<hbm>> -> memref<128x128xf32, #tpu.memory_space<hbm>>
      tpu.enqueue_dma source(%dma_start3A_253 : memref<128x128xf32, #tpu.memory_space<hbm>>) target(%dma_start3A_251 : memref<128x128xf32, #tpu.memory_space<vmem>>) target_semaphore(%arg13 : memref<!tpu.dma_semaphore, #tpu.memory_space<semaphore_mem>>)
    } else {
    }
    %gt3A_139 = arith.constant 2 : i32
    %gt3A_140 = arith.cmpi sgt, %select_n3A_129, %gt3A_139 : i32
    %convert_element_type3A_141 = arith.extui %gt3A_140 : i1 to i32
    %cond3A_142 = arith.constant 2 : i32
    %cond3A_143 = arith.constant 0 : i32
    %cond3A_144 = arith.cmpi ne, %convert_element_type3A_141, %cond3A_143 : i32
    scf.if %cond3A_144 {
      %add3A_240 = arith.constant 256 : i32
      %add3A_241 = arith.addi %mul3A_100, %add3A_240 : i32
      %min3A = arith.constant 32640 : i32
      %min3A_242 = arith.minsi %add3A_241, %min3A : i32
      %dma_start3A = arith.constant 0 : i32
      %dma_start3A_243 = arith.constant 0 : i32
      %dma_start3A_244 = tpu.memref_slice %arg6[%cond3A_142, %dma_start3A, %dma_start3A_243] : memref<4x128x128xf32, #tpu.memory_space<vmem>> -> memref<1x128x128xf32, #tpu.memory_space<vmem>>
      %dma_start3A_245 = tpu.memref_squeeze %dma_start3A_244 : memref<1x128x128xf32, #tpu.memory_space<vmem>> -> memref<128x128xf32, #tpu.memory_space<vmem>>
      %dma_start3A_246 = arith.constant 0 : i32
      %dma_start3A_247 = tpu.memref_slice %arg2[%min3A_242, %dma_start3A_246] : memref<32768x128xf32, #tpu.memory_space<hbm>> -> memref<128x128xf32, #tpu.memory_space<hbm>>
      %dma_start3A_248 = arith.constant 0 : i32
      %dma_start3A_249 = arith.constant 0 : i32
      %dma_start3A_250 = tpu.memref_slice %arg6[%cond3A_142, %dma_start3A_248, %dma_start3A_249] : memref<4x128x128xf32, #tpu.memory_space<vmem>> -> memref<1x128x128xf32, #tpu.memory_space<vmem>>
      %dma_start3A_251 = tpu.memref_squeeze %dma_start3A_250 : memref<1x128x128xf32, #tpu.memory_space<vmem>> -> memref<128x128xf32, #tpu.memory_space<vmem>>
      %dma_start3A_252 = arith.constant 0 : i32
      %dma_start3A_253 = tpu.memref_slice %arg2[%min3A_242, %dma_start3A_252] : memref<32768x128xf32, #tpu.memory_space<hbm>> -> memref<128x128xf32, #tpu.memory_space<hbm>>
      tpu.enqueue_dma source(%dma_start3A_253 : memref<128x128xf32, #tpu.memory_space<hbm>>) target(%dma_start3A_251 : memref<128x128xf32, #tpu.memory_space<vmem>>) target_semaphore(%arg14 : memref<!tpu.dma_semaphore, #tpu.memory_space<semaphore_mem>>)
    } else {
    }
    %gt3A_145 = arith.constant 3 : i32
    %gt3A_146 = arith.cmpi sgt, %select_n3A_129, %gt3A_145 : i32
    %convert_element_type3A_147 = arith.extui %gt3A_146 : i1 to i32
    %cond3A_148 = arith.constant 3 : i32
    %cond3A_149 = arith.constant 0 : i32
    %cond3A_150 = arith.cmpi ne, %convert_element_type3A_147, %cond3A_149 : i32
    scf.if %cond3A_150 {
      %add3A_240 = arith.constant 384 : i32
      %add3A_241 = arith.addi %mul3A_100, %add3A_240 : i32
      %min3A = arith.constant 32640 : i32
      %min3A_242 = arith.minsi %add3A_241, %min3A : i32
      %dma_start3A = arith.constant 0 : i32
      %dma_start3A_243 = arith.constant 0 : i32
      %dma_start3A_244 = tpu.memref_slice %arg6[%cond3A_148, %dma_start3A, %dma_start3A_243] : memref<4x128x128xf32, #tpu.memory_space<vmem>> -> memref<1x128x128xf32, #tpu.memory_space<vmem>>
      %dma_start3A_245 = tpu.memref_squeeze %dma_start3A_244 : memref<1x128x128xf32, #tpu.memory_space<vmem>> -> memref<128x128xf32, #tpu.memory_space<vmem>>
      %dma_start3A_246 = arith.constant 0 : i32
      %dma_start3A_247 = tpu.memref_slice %arg2[%min3A_242, %dma_start3A_246] : memref<32768x128xf32, #tpu.memory_space<hbm>> -> memref<128x128xf32, #tpu.memory_space<hbm>>
      %dma_start3A_248 = arith.constant 0 : i32
      %dma_start3A_249 = arith.constant 0 : i32
      %dma_start3A_250 = tpu.memref_slice %arg6[%cond3A_148, %dma_start3A_248, %dma_start3A_249] : memref<4x128x128xf32, #tpu.memory_space<vmem>> -> memref<1x128x128xf32, #tpu.memory_space<vmem>>
      %dma_start3A_251 = tpu.memref_squeeze %dma_start3A_250 : memref<1x128x128xf32, #tpu.memory_space<vmem>> -> memref<128x128xf32, #tpu.memory_space<vmem>>
      %dma_start3A_252 = arith.constant 0 : i32
      %dma_start3A_253 = tpu.memref_slice %arg2[%min3A_242, %dma_start3A_252] : memref<32768x128xf32, #tpu.memory_space<hbm>> -> memref<128x128xf32, #tpu.memory_space<hbm>>
      tpu.enqueue_dma source(%dma_start3A_253 : memref<128x128xf32, #tpu.memory_space<hbm>>) target(%dma_start3A_251 : memref<128x128xf32, #tpu.memory_space<vmem>>) target_semaphore(%arg15 : memref<!tpu.dma_semaphore, #tpu.memory_space<semaphore_mem>>)
    } else {
    }
    %broadcast_in_dim3A = arith.constant 0.000000e+00 : f32
    %broadcast_in_dim3A_151 = vector.broadcast %broadcast_in_dim3A : f32 to vector<16xf32>
    %broadcast_in_dim3A_152 = arith.constant 0.000000e+00 : f32
    %broadcast_in_dim3A_153 = vector.broadcast %broadcast_in_dim3A_152 : f32 to vector<16xf32>
    %broadcast_in_dim3A_154 = arith.constant 0.000000e+00 : f32
    %broadcast_in_dim3A_155 = vector.broadcast %broadcast_in_dim3A_154 : f32 to vector<16xf32>
    %broadcast_in_dim3A_156 = arith.constant 0.000000e+00 : f32
    %broadcast_in_dim3A_157 = vector.broadcast %broadcast_in_dim3A_156 : f32 to vector<16xf32>
    %broadcast_in_dim3A_158 = arith.constant 0.000000e+00 : f32
    %broadcast_in_dim3A_159 = vector.broadcast %broadcast_in_dim3A_158 : f32 to vector<16xf32>
    %broadcast_in_dim3A_160 = arith.constant 0.000000e+00 : f32
    %broadcast_in_dim3A_161 = vector.broadcast %broadcast_in_dim3A_160 : f32 to vector<16xf32>
    %broadcast_in_dim3A_162 = arith.constant 0.000000e+00 : f32
    %broadcast_in_dim3A_163 = vector.broadcast %broadcast_in_dim3A_162 : f32 to vector<16xf32>
    %broadcast_in_dim3A_164 = arith.constant 0.000000e+00 : f32
    %broadcast_in_dim3A_165 = vector.broadcast %broadcast_in_dim3A_164 : f32 to vector<16xf32>
    %add3A_166 = arith.constant 4 : i32
    %add3A_167 = arith.addi %select_n3A_129, %add3A_166 : i32
    %sub3A_168 = arith.constant 1 : i32
    %sub3A_169 = arith.subi %add3A_167, %sub3A_168 : i32
    %jit3A_170 = arith.constant 4 : i32
    %div3A_171 = arith.divsi %sub3A_169, %jit3A_170 : i32
    %sign3A_172 = arith.constant 0 : i32
    %sign3A_173 = arith.cmpi sgt, %sub3A_169, %sign3A_172 : i32
    %sign3A_174 = arith.extui %sign3A_173 : i1 to i32
    %sign3A_175 = arith.constant 0 : i32
    %sign3A_176 = arith.cmpi slt, %sub3A_169, %sign3A_175 : i32
    %sign3A_177 = arith.extui %sign3A_176 : i1 to i32
    %sign3A_178 = arith.subi %sign3A_174, %sign3A_177 : i32
    %sign3A_179 = arith.constant 0 : i32
    %sign3A_180 = arith.cmpi sgt, %jit3A_170, %sign3A_179 : i32
    %sign3A_181 = arith.extui %sign3A_180 : i1 to i32
    %sign3A_182 = arith.constant 0 : i32
    %sign3A_183 = arith.cmpi slt, %jit3A_170, %sign3A_182 : i32
    %sign3A_184 = arith.extui %sign3A_183 : i1 to i32
    %sign3A_185 = arith.subi %sign3A_181, %sign3A_184 : i32
    %ne3A_186 = arith.cmpi ne, %sign3A_178, %sign3A_185 : i32
    %rem3A_187 = arith.remsi %sub3A_169, %jit3A_170 : i32
    %ne3A_188 = arith.constant 0 : i32
    %ne3A_189 = arith.cmpi ne, %rem3A_187, %ne3A_188 : i32
    %and3A_190 = arith.andi %ne3A_186, %ne3A_189 : i1
    %sub3A_191 = arith.constant 1 : i32
    %sub3A_192 = arith.subi %div3A_171, %sub3A_191 : i32
    %select_n3A_193 = arith.select %and3A_190, %sub3A_192, %div3A_171 : i32
    %while3A = arith.constant 0 : i32
    %while3A_194 = arith.subi %select_n3A_193, %while3A : i32
    %while3A_195 = arith.addi %while3A, %while3A_194 : i32
    %while3A_196 = arith.constant 1 : i32
    %while3A_197 = arith.divsi %while3A_194, %while3A_196 : i32
    %while3A_198 = arith.muli %while3A_197, %while3A_196 : i32
    %while3A_199 = arith.addi %while3A, %while3A_198 : i32
    %while3A_200 = arith.constant 1 : i32
    %while3A_201:8 = scf.for %while3A_240 = %while3A to %while3A_199 step %while3A_200 iter_args(%while3A_241 = %broadcast_in_dim3A_151, %while3A_242 = %broadcast_in_dim3A_153, %while3A_243 = %broadcast_in_dim3A_155, %while3A_244 = %broadcast_in_dim3A_157, %while3A_245 = %broadcast_in_dim3A_159, %while3A_246 = %broadcast_in_dim3A_161, %while3A_247 = %broadcast_in_dim3A_163, %while3A_248 = %broadcast_in_dim3A_165) -> (vector<16xf32>, vector<16xf32>, vector<16xf32>, vector<16xf32>, vector<16xf32>, vector<16xf32>, vector<16xf32>, vector<16xf32>)  : i32 {
      %mul3A_249 = arith.constant 4 : i32
      %mul3A_250 = arith.muli %mul3A_249, %while3A_240 : i32
      %add3A_251 = arith.constant 0 : i32
      %add3A_252 = arith.addi %mul3A_250, %add3A_251 : i32
      %lt3A_253 = arith.cmpi slt, %add3A_252, %select_n3A_129 : i32
      %convert_element_type3A_254 = arith.extui %lt3A_253 : i1 to i32
      %cond3A_255 = arith.constant 0 : i32
      %cond3A_256 = arith.constant 0 : i32
      %cond3A_257 = arith.cmpi ne, %convert_element_type3A_254, %cond3A_256 : i32
      scf.if %cond3A_257 {
        %dma_wait3A = arith.constant 0 : i32
        %dma_wait3A_392 = arith.constant 0 : i32
        %dma_wait3A_393 = tpu.memref_slice %arg6[%cond3A_255, %dma_wait3A, %dma_wait3A_392] : memref<4x128x128xf32, #tpu.memory_space<vmem>> -> memref<1x128x128xf32, #tpu.memory_space<vmem>>
        %dma_wait3A_394 = tpu.memref_squeeze %dma_wait3A_393 : memref<1x128x128xf32, #tpu.memory_space<vmem>> -> memref<128x128xf32, #tpu.memory_space<vmem>>
        %dma_wait3A_395 = arith.constant 0 : i32
        %dma_wait3A_396 = arith.constant 0 : i32
        %dma_wait3A_397 = tpu.memref_slice %arg2[%dma_wait3A_395, %dma_wait3A_396] : memref<32768x128xf32, #tpu.memory_space<hbm>> -> memref<128x128xf32, #tpu.memory_space<hbm>>
        %dma_wait3A_398 = arith.constant 0 : i32
        %dma_wait3A_399 = arith.constant 0 : i32
        %dma_wait3A_400 = tpu.memref_slice %arg6[%cond3A_255, %dma_wait3A_398, %dma_wait3A_399] : memref<4x128x128xf32, #tpu.memory_space<vmem>> -> memref<1x128x128xf32, #tpu.memory_space<vmem>>
        %dma_wait3A_401 = tpu.memref_squeeze %dma_wait3A_400 : memref<1x128x128xf32, #tpu.memory_space<vmem>> -> memref<128x128xf32, #tpu.memory_space<vmem>>
        %dma_wait3A_402 = arith.constant 0 : i32
        %dma_wait3A_403 = arith.constant 0 : i32
        %dma_wait3A_404 = tpu.memref_slice %arg2[%dma_wait3A_402, %dma_wait3A_403] : memref<32768x128xf32, #tpu.memory_space<hbm>> -> memref<128x128xf32, #tpu.memory_space<hbm>>
        tpu.wait_dma2 semaphore(%arg12 : memref<!tpu.dma_semaphore, #tpu.memory_space<semaphore_mem>>) src(%dma_wait3A_404 : memref<128x128xf32, #tpu.memory_space<hbm>>) dst(%dma_wait3A_401 : memref<128x128xf32, #tpu.memory_space<vmem>>)
      } else {
      }
      %mul3A_258 = arith.constant 128 : i32
      %mul3A_259 = arith.muli %add3A_252, %mul3A_258 : i32
      %add3A_260 = arith.addi %mul3A_100, %mul3A_259 : i32
      %max3A = arith.maxsi %add3A_68, %add3A_260 : i32
      %mul3A_261 = arith.constant 128 : i32
      %mul3A_262 = arith.muli %add3A_252, %mul3A_261 : i32
      %add3A_263 = arith.addi %mul3A_100, %mul3A_262 : i32
      %min3A = arith.constant 32640 : i32
      %min3A_264 = arith.minsi %add3A_263, %min3A : i32
      %sub3A_265 = arith.subi %max3A, %min3A_264 : i32
      %add3A_266 = arith.constant 128 : i32
      %add3A_267 = arith.addi %add3A_260, %add3A_266 : i32
      %min3A_268 = arith.minsi %add3A_74, %add3A_267 : i32
      %mul3A_269 = arith.constant 128 : i32
      %mul3A_270 = arith.muli %add3A_252, %mul3A_269 : i32
      %add3A_271 = arith.addi %mul3A_100, %mul3A_270 : i32
      %min3A_272 = arith.constant 32640 : i32
      %min3A_273 = arith.minsi %add3A_271, %min3A_272 : i32
      %sub3A_274 = arith.subi %min3A_268, %min3A_273 : i32
      %parallel_loop3A = arith.constant 1 : i32
      %parallel_loop3A_275 = arith.constant 0 : i32
      %parallel_loop3A_276:8 = scf.for %parallel_loop3A_392 = %sub3A_265 to %sub3A_274 step %parallel_loop3A iter_args(%parallel_loop3A_393 = %while3A_241, %parallel_loop3A_394 = %while3A_242, %parallel_loop3A_395 = %while3A_243, %parallel_loop3A_396 = %while3A_244, %parallel_loop3A_397 = %while3A_245, %parallel_loop3A_398 = %while3A_246, %parallel_loop3A_399 = %while3A_247, %parallel_loop3A_400 = %while3A_248) -> (vector<16xf32>, vector<16xf32>, vector<16xf32>, vector<16xf32>, vector<16xf32>, vector<16xf32>, vector<16xf32>, vector<16xf32>)  : i32 {
        %parallel_loop3A_401 = arith.constant 0 : i32
        %parallel_loop3A_402 = arith.constant 0 : i32
        %parallel_loop3A_403 = tpu.memref_slice %arg6[%parallel_loop3A_275, %parallel_loop3A_401, %parallel_loop3A_402] : memref<4x128x128xf32, #tpu.memory_space<vmem>> -> memref<1x128x128xf32, #tpu.memory_space<vmem>>
        %parallel_loop3A_404 = tpu.memref_squeeze %parallel_loop3A_403 : memref<1x128x128xf32, #tpu.memory_space<vmem>> -> memref<128x128xf32, #tpu.memory_space<vmem>>
        %parallel_loop3A_405 = arith.index_cast %parallel_loop3A_392 : i32 to index
        %parallel_loop3A_406 = arith.constant 0 : index
        %parallel_loop3A_407 = tpu.vector_load %parallel_loop3A_404[%parallel_loop3A_405, %parallel_loop3A_406] {strides = array<i32>} : memref<128x128xf32, #tpu.memory_space<vmem>>, vector<1x16xf32>,
        %parallel_loop3A_408 = vector.shape_cast %parallel_loop3A_407 : vector<1x16xf32> to vector<16xf32>
        %parallel_loop3A_409 = arith.addf %parallel_loop3A_393, %parallel_loop3A_408 : vector<16xf32>
        %parallel_loop3A_410 = arith.constant 0 : i32
        %parallel_loop3A_411 = arith.constant 0 : i32
        %parallel_loop3A_412 = tpu.memref_slice %arg6[%parallel_loop3A_275, %parallel_loop3A_410, %parallel_loop3A_411] : memref<4x128x128xf32, #tpu.memory_space<vmem>> -> memref<1x128x128xf32, #tpu.memory_space<vmem>>
        %parallel_loop3A_413 = tpu.memref_squeeze %parallel_loop3A_412 : memref<1x128x128xf32, #tpu.memory_space<vmem>> -> memref<128x128xf32, #tpu.memory_space<vmem>>
        %parallel_loop3A_414 = arith.index_cast %parallel_loop3A_392 : i32 to index
        %parallel_loop3A_415 = arith.constant 16 : index
        %parallel_loop3A_416 = tpu.vector_load %parallel_loop3A_413[%parallel_loop3A_414, %parallel_loop3A_415] {strides = array<i32>} : memref<128x128xf32, #tpu.memory_space<vmem>>, vector<1x16xf32>,
        %parallel_loop3A_417 = vector.shape_cast %parallel_loop3A_416 : vector<1x16xf32> to vector<16xf32>
        %parallel_loop3A_418 = arith.addf %parallel_loop3A_394, %parallel_loop3A_417 : vector<16xf32>
        %parallel_loop3A_419 = arith.constant 0 : i32
        %parallel_loop3A_420 = arith.constant 0 : i32
        %parallel_loop3A_421 = tpu.memref_slice %arg6[%parallel_loop3A_275, %parallel_loop3A_419, %parallel_loop3A_420] : memref<4x128x128xf32, #tpu.memory_space<vmem>> -> memref<1x128x128xf32, #tpu.memory_space<vmem>>
        %parallel_loop3A_422 = tpu.memref_squeeze %parallel_loop3A_421 : memref<1x128x128xf32, #tpu.memory_space<vmem>> -> memref<128x128xf32, #tpu.memory_space<vmem>>
        %parallel_loop3A_423 = arith.index_cast %parallel_loop3A_392 : i32 to index
        %parallel_loop3A_424 = arith.constant 32 : index
        %parallel_loop3A_425 = tpu.vector_load %parallel_loop3A_422[%parallel_loop3A_423, %parallel_loop3A_424] {strides = array<i32>} : memref<128x128xf32, #tpu.memory_space<vmem>>, vector<1x16xf32>,
        %parallel_loop3A_426 = vector.shape_cast %parallel_loop3A_425 : vector<1x16xf32> to vector<16xf32>
        %parallel_loop3A_427 = arith.addf %parallel_loop3A_395, %parallel_loop3A_426 : vector<16xf32>
        %parallel_loop3A_428 = arith.constant 0 : i32
        %parallel_loop3A_429 = arith.constant 0 : i32
        %parallel_loop3A_430 = tpu.memref_slice %arg6[%parallel_loop3A_275, %parallel_loop3A_428, %parallel_loop3A_429] : memref<4x128x128xf32, #tpu.memory_space<vmem>> -> memref<1x128x128xf32, #tpu.memory_space<vmem>>
        %parallel_loop3A_431 = tpu.memref_squeeze %parallel_loop3A_430 : memref<1x128x128xf32, #tpu.memory_space<vmem>> -> memref<128x128xf32, #tpu.memory_space<vmem>>
        %parallel_loop3A_432 = arith.index_cast %parallel_loop3A_392 : i32 to index
        %parallel_loop3A_433 = arith.constant 48 : index
        %parallel_loop3A_434 = tpu.vector_load %parallel_loop3A_431[%parallel_loop3A_432, %parallel_loop3A_433] {strides = array<i32>} : memref<128x128xf32, #tpu.memory_space<vmem>>, vector<1x16xf32>,
        %parallel_loop3A_435 = vector.shape_cast %parallel_loop3A_434 : vector<1x16xf32> to vector<16xf32>
        %parallel_loop3A_436 = arith.addf %parallel_loop3A_396, %parallel_loop3A_435 : vector<16xf32>
        %parallel_loop3A_437 = arith.constant 0 : i32
        %parallel_loop3A_438 = arith.constant 0 : i32
        %parallel_loop3A_439 = tpu.memref_slice %arg6[%parallel_loop3A_275, %parallel_loop3A_437, %parallel_loop3A_438] : memref<4x128x128xf32, #tpu.memory_space<vmem>> -> memref<1x128x128xf32, #tpu.memory_space<vmem>>
        %parallel_loop3A_440 = tpu.memref_squeeze %parallel_loop3A_439 : memref<1x128x128xf32, #tpu.memory_space<vmem>> -> memref<128x128xf32, #tpu.memory_space<vmem>>
        %parallel_loop3A_441 = arith.index_cast %parallel_loop3A_392 : i32 to index
        %parallel_loop3A_442 = arith.constant 64 : index
        %parallel_loop3A_443 = tpu.vector_load %parallel_loop3A_440[%parallel_loop3A_441, %parallel_loop3A_442] {strides = array<i32>} : memref<128x128xf32, #tpu.memory_space<vmem>>, vector<1x16xf32>,
        %parallel_loop3A_444 = vector.shape_cast %parallel_loop3A_443 : vector<1x16xf32> to vector<16xf32>
        %parallel_loop3A_445 = arith.addf %parallel_loop3A_397, %parallel_loop3A_444 : vector<16xf32>
        %parallel_loop3A_446 = arith.constant 0 : i32
        %parallel_loop3A_447 = arith.constant 0 : i32
        %parallel_loop3A_448 = tpu.memref_slice %arg6[%parallel_loop3A_275, %parallel_loop3A_446, %parallel_loop3A_447] : memref<4x128x128xf32, #tpu.memory_space<vmem>> -> memref<1x128x128xf32, #tpu.memory_space<vmem>>
        %parallel_loop3A_449 = tpu.memref_squeeze %parallel_loop3A_448 : memref<1x128x128xf32, #tpu.memory_space<vmem>> -> memref<128x128xf32, #tpu.memory_space<vmem>>
        %parallel_loop3A_450 = arith.index_cast %parallel_loop3A_392 : i32 to index
        %parallel_loop3A_451 = arith.constant 80 : index
        %parallel_loop3A_452 = tpu.vector_load %parallel_loop3A_449[%parallel_loop3A_450, %parallel_loop3A_451] {strides = array<i32>} : memref<128x128xf32, #tpu.memory_space<vmem>>, vector<1x16xf32>,
        %parallel_loop3A_453 = vector.shape_cast %parallel_loop3A_452 : vector<1x16xf32> to vector<16xf32>
        %parallel_loop3A_454 = arith.addf %parallel_loop3A_398, %parallel_loop3A_453 : vector<16xf32>
        %parallel_loop3A_455 = arith.constant 0 : i32
        %parallel_loop3A_456 = arith.constant 0 : i32
        %parallel_loop3A_457 = tpu.memref_slice %arg6[%parallel_loop3A_275, %parallel_loop3A_455, %parallel_loop3A_456] : memref<4x128x128xf32, #tpu.memory_space<vmem>> -> memref<1x128x128xf32, #tpu.memory_space<vmem>>
        %parallel_loop3A_458 = tpu.memref_squeeze %parallel_loop3A_457 : memref<1x128x128xf32, #tpu.memory_space<vmem>> -> memref<128x128xf32, #tpu.memory_space<vmem>>
        %parallel_loop3A_459 = arith.index_cast %parallel_loop3A_392 : i32 to index
        %parallel_loop3A_460 = arith.constant 96 : index
        %parallel_loop3A_461 = tpu.vector_load %parallel_loop3A_458[%parallel_loop3A_459, %parallel_loop3A_460] {strides = array<i32>} : memref<128x128xf32, #tpu.memory_space<vmem>>, vector<1x16xf32>,
        %parallel_loop3A_462 = vector.shape_cast %parallel_loop3A_461 : vector<1x16xf32> to vector<16xf32>
        %parallel_loop3A_463 = arith.addf %parallel_loop3A_399, %parallel_loop3A_462 : vector<16xf32>
        %parallel_loop3A_464 = arith.constant 0 : i32
        %parallel_loop3A_465 = arith.constant 0 : i32
        %parallel_loop3A_466 = tpu.memref_slice %arg6[%parallel_loop3A_275, %parallel_loop3A_464, %parallel_loop3A_465] : memref<4x128x128xf32, #tpu.memory_space<vmem>> -> memref<1x128x128xf32, #tpu.memory_space<vmem>>
        %parallel_loop3A_467 = tpu.memref_squeeze %parallel_loop3A_466 : memref<1x128x128xf32, #tpu.memory_space<vmem>> -> memref<128x128xf32, #tpu.memory_space<vmem>>
        %parallel_loop3A_468 = arith.index_cast %parallel_loop3A_392 : i32 to index
        %parallel_loop3A_469 = arith.constant 112 : index
        %parallel_loop3A_470 = tpu.vector_load %parallel_loop3A_467[%parallel_loop3A_468, %parallel_loop3A_469] {strides = array<i32>} : memref<128x128xf32, #tpu.memory_space<vmem>>, vector<1x16xf32>,
        %parallel_loop3A_471 = vector.shape_cast %parallel_loop3A_470 : vector<1x16xf32> to vector<16xf32>
        %parallel_loop3A_472 = arith.addf %parallel_loop3A_400, %parallel_loop3A_471 : vector<16xf32>
        scf.yield %parallel_loop3A_409, %parallel_loop3A_418, %parallel_loop3A_427, %parallel_loop3A_436, %parallel_loop3A_445, %parallel_loop3A_454, %parallel_loop3A_463, %parallel_loop3A_472 : vector<16xf32>, vector<16xf32>, vector<16xf32>, vector<16xf32>, vector<16xf32>, vector<16xf32>, vector<16xf32>, vector<16xf32>
      } {sc.loop_unroll_factor = 4 : i64, sc.parallel_access}
      %add3A_277 = arith.constant 4 : i32
      %add3A_278 = arith.addi %add3A_252, %add3A_277 : i32
      %lt3A_279 = arith.cmpi slt, %add3A_278, %select_n3A_129 : i32
      %convert_element_type3A_280 = arith.extui %lt3A_279 : i1 to i32
      %cond3A_281 = arith.constant 0 : i32
      %cond3A_282 = arith.constant 0 : i32
      %cond3A_283 = arith.cmpi ne, %convert_element_type3A_280, %cond3A_282 : i32
      scf.if %cond3A_283 {
        %mul3A_392 = arith.constant 128 : i32
        %mul3A_393 = arith.muli %add3A_278, %mul3A_392 : i32
        %add3A_394 = arith.addi %mul3A_100, %mul3A_393 : i32
        %min3A_395 = arith.constant 32640 : i32
        %min3A_396 = arith.minsi %add3A_394, %min3A_395 : i32
        %dma_start3A = arith.constant 0 : i32
        %dma_start3A_397 = arith.constant 0 : i32
        %dma_start3A_398 = tpu.memref_slice %arg6[%cond3A_281, %dma_start3A, %dma_start3A_397] : memref<4x128x128xf32, #tpu.memory_space<vmem>> -> memref<1x128x128xf32, #tpu.memory_space<vmem>>
        %dma_start3A_399 = tpu.memref_squeeze %dma_start3A_398 : memref<1x128x128xf32, #tpu.memory_space<vmem>> -> memref<128x128xf32, #tpu.memory_space<vmem>>
        %dma_start3A_400 = arith.constant 0 : i32
        %dma_start3A_401 = tpu.memref_slice %arg2[%min3A_396, %dma_start3A_400] : memref<32768x128xf32, #tpu.memory_space<hbm>> -> memref<128x128xf32, #tpu.memory_space<hbm>>
        %dma_start3A_402 = arith.constant 0 : i32
        %dma_start3A_403 = arith.constant 0 : i32
        %dma_start3A_404 = tpu.memref_slice %arg6[%cond3A_281, %dma_start3A_402, %dma_start3A_403] : memref<4x128x128xf32, #tpu.memory_space<vmem>> -> memref<1x128x128xf32, #tpu.memory_space<vmem>>
        %dma_start3A_405 = tpu.memref_squeeze %dma_start3A_404 : memref<1x128x128xf32, #tpu.memory_space<vmem>> -> memref<128x128xf32, #tpu.memory_space<vmem>>
        %dma_start3A_406 = arith.constant 0 : i32
        %dma_start3A_407 = tpu.memref_slice %arg2[%min3A_396, %dma_start3A_406] : memref<32768x128xf32, #tpu.memory_space<hbm>> -> memref<128x128xf32, #tpu.memory_space<hbm>>
        tpu.enqueue_dma source(%dma_start3A_407 : memref<128x128xf32, #tpu.memory_space<hbm>>) target(%dma_start3A_405 : memref<128x128xf32, #tpu.memory_space<vmem>>) target_semaphore(%arg12 : memref<!tpu.dma_semaphore, #tpu.memory_space<semaphore_mem>>)
      } else {
      }
      %add3A_284 = arith.constant 1 : i32
      %add3A_285 = arith.addi %mul3A_250, %add3A_284 : i32
      %lt3A_286 = arith.cmpi slt, %add3A_285, %select_n3A_129 : i32
      %convert_element_type3A_287 = arith.extui %lt3A_286 : i1 to i32
      %cond3A_288 = arith.constant 1 : i32
      %cond3A_289 = arith.constant 0 : i32
      %cond3A_290 = arith.cmpi ne, %convert_element_type3A_287, %cond3A_289 : i32
      scf.if %cond3A_290 {
        %dma_wait3A = arith.constant 0 : i32
        %dma_wait3A_392 = arith.constant 0 : i32
        %dma_wait3A_393 = tpu.memref_slice %arg6[%cond3A_288, %dma_wait3A, %dma_wait3A_392] : memref<4x128x128xf32, #tpu.memory_space<vmem>> -> memref<1x128x128xf32, #tpu.memory_space<vmem>>
        %dma_wait3A_394 = tpu.memref_squeeze %dma_wait3A_393 : memref<1x128x128xf32, #tpu.memory_space<vmem>> -> memref<128x128xf32, #tpu.memory_space<vmem>>
        %dma_wait3A_395 = arith.constant 0 : i32
        %dma_wait3A_396 = arith.constant 0 : i32
        %dma_wait3A_397 = tpu.memref_slice %arg2[%dma_wait3A_395, %dma_wait3A_396] : memref<32768x128xf32, #tpu.memory_space<hbm>> -> memref<128x128xf32, #tpu.memory_space<hbm>>
        %dma_wait3A_398 = arith.constant 0 : i32
        %dma_wait3A_399 = arith.constant 0 : i32
        %dma_wait3A_400 = tpu.memref_slice %arg6[%cond3A_288, %dma_wait3A_398, %dma_wait3A_399] : memref<4x128x128xf32, #tpu.memory_space<vmem>> -> memref<1x128x128xf32, #tpu.memory_space<vmem>>
        %dma_wait3A_401 = tpu.memref_squeeze %dma_wait3A_400 : memref<1x128x128xf32, #tpu.memory_space<vmem>> -> memref<128x128xf32, #tpu.memory_space<vmem>>
        %dma_wait3A_402 = arith.constant 0 : i32
        %dma_wait3A_403 = arith.constant 0 : i32
        %dma_wait3A_404 = tpu.memref_slice %arg2[%dma_wait3A_402, %dma_wait3A_403] : memref<32768x128xf32, #tpu.memory_space<hbm>> -> memref<128x128xf32, #tpu.memory_space<hbm>>
        tpu.wait_dma2 semaphore(%arg13 : memref<!tpu.dma_semaphore, #tpu.memory_space<semaphore_mem>>) src(%dma_wait3A_404 : memref<128x128xf32, #tpu.memory_space<hbm>>) dst(%dma_wait3A_401 : memref<128x128xf32, #tpu.memory_space<vmem>>)
      } else {
      }
      %mul3A_291 = arith.constant 128 : i32
      %mul3A_292 = arith.muli %add3A_285, %mul3A_291 : i32
      %add3A_293 = arith.addi %mul3A_100, %mul3A_292 : i32
      %max3A_294 = arith.maxsi %add3A_68, %add3A_293 : i32
      %mul3A_295 = arith.constant 128 : i32
      %mul3A_296 = arith.muli %add3A_285, %mul3A_295 : i32
      %add3A_297 = arith.addi %mul3A_100, %mul3A_296 : i32
      %min3A_298 = arith.constant 32640 : i32
      %min3A_299 = arith.minsi %add3A_297, %min3A_298 : i32
      %sub3A_300 = arith.subi %max3A_294, %min3A_299 : i32
      %add3A_301 = arith.constant 128 : i32
      %add3A_302 = arith.addi %add3A_293, %add3A_301 : i32
      %min3A_303 = arith.minsi %add3A_74, %add3A_302 : i32
      %mul3A_304 = arith.constant 128 : i32
      %mul3A_305 = arith.muli %add3A_285, %mul3A_304 : i32
      %add3A_306 = arith.addi %mul3A_100, %mul3A_305 : i32
      %min3A_307 = arith.constant 32640 : i32
      %min3A_308 = arith.minsi %add3A_306, %min3A_307 : i32
      %sub3A_309 = arith.subi %min3A_303, %min3A_308 : i32
      %parallel_loop3A_310 = arith.constant 1 : i32
      %parallel_loop3A_311 = arith.constant 1 : i32
      %parallel_loop3A_312:8 = scf.for %parallel_loop3A_392 = %sub3A_300 to %sub3A_309 step %parallel_loop3A_310 iter_args(%parallel_loop3A_393 = %parallel_loop3A_276#0, %parallel_loop3A_394 = %parallel_loop3A_276#1, %parallel_loop3A_395 = %parallel_loop3A_276#2, %parallel_loop3A_396 = %parallel_loop3A_276#3, %parallel_loop3A_397 = %parallel_loop3A_276#4, %parallel_loop3A_398 = %parallel_loop3A_276#5, %parallel_loop3A_399 = %parallel_loop3A_276#6, %parallel_loop3A_400 = %parallel_loop3A_276#7) -> (vector<16xf32>, vector<16xf32>, vector<16xf32>, vector<16xf32>, vector<16xf32>, vector<16xf32>, vector<16xf32>, vector<16xf32>)  : i32 {
        %parallel_loop3A_401 = arith.constant 0 : i32
        %parallel_loop3A_402 = arith.constant 0 : i32
        %parallel_loop3A_403 = tpu.memref_slice %arg6[%parallel_loop3A_311, %parallel_loop3A_401, %parallel_loop3A_402] : memref<4x128x128xf32, #tpu.memory_space<vmem>> -> memref<1x128x128xf32, #tpu.memory_space<vmem>>
        %parallel_loop3A_404 = tpu.memref_squeeze %parallel_loop3A_403 : memref<1x128x128xf32, #tpu.memory_space<vmem>> -> memref<128x128xf32, #tpu.memory_space<vmem>>
        %parallel_loop3A_405 = arith.index_cast %parallel_loop3A_392 : i32 to index
        %parallel_loop3A_406 = arith.constant 0 : index
        %parallel_loop3A_407 = tpu.vector_load %parallel_loop3A_404[%parallel_loop3A_405, %parallel_loop3A_406] {strides = array<i32>} : memref<128x128xf32, #tpu.memory_space<vmem>>, vector<1x16xf32>,
        %parallel_loop3A_408 = vector.shape_cast %parallel_loop3A_407 : vector<1x16xf32> to vector<16xf32>
        %parallel_loop3A_409 = arith.addf %parallel_loop3A_393, %parallel_loop3A_408 : vector<16xf32>
        %parallel_loop3A_410 = arith.constant 0 : i32
        %parallel_loop3A_411 = arith.constant 0 : i32
        %parallel_loop3A_412 = tpu.memref_slice %arg6[%parallel_loop3A_311, %parallel_loop3A_410, %parallel_loop3A_411] : memref<4x128x128xf32, #tpu.memory_space<vmem>> -> memref<1x128x128xf32, #tpu.memory_space<vmem>>
        %parallel_loop3A_413 = tpu.memref_squeeze %parallel_loop3A_412 : memref<1x128x128xf32, #tpu.memory_space<vmem>> -> memref<128x128xf32, #tpu.memory_space<vmem>>
        %parallel_loop3A_414 = arith.index_cast %parallel_loop3A_392 : i32 to index
        %parallel_loop3A_415 = arith.constant 16 : index
        %parallel_loop3A_416 = tpu.vector_load %parallel_loop3A_413[%parallel_loop3A_414, %parallel_loop3A_415] {strides = array<i32>} : memref<128x128xf32, #tpu.memory_space<vmem>>, vector<1x16xf32>,
        %parallel_loop3A_417 = vector.shape_cast %parallel_loop3A_416 : vector<1x16xf32> to vector<16xf32>
        %parallel_loop3A_418 = arith.addf %parallel_loop3A_394, %parallel_loop3A_417 : vector<16xf32>
        %parallel_loop3A_419 = arith.constant 0 : i32
        %parallel_loop3A_420 = arith.constant 0 : i32
        %parallel_loop3A_421 = tpu.memref_slice %arg6[%parallel_loop3A_311, %parallel_loop3A_419, %parallel_loop3A_420] : memref<4x128x128xf32, #tpu.memory_space<vmem>> -> memref<1x128x128xf32, #tpu.memory_space<vmem>>
        %parallel_loop3A_422 = tpu.memref_squeeze %parallel_loop3A_421 : memref<1x128x128xf32, #tpu.memory_space<vmem>> -> memref<128x128xf32, #tpu.memory_space<vmem>>
        %parallel_loop3A_423 = arith.index_cast %parallel_loop3A_392 : i32 to index
        %parallel_loop3A_424 = arith.constant 32 : index
        %parallel_loop3A_425 = tpu.vector_load %parallel_loop3A_422[%parallel_loop3A_423, %parallel_loop3A_424] {strides = array<i32>} : memref<128x128xf32, #tpu.memory_space<vmem>>, vector<1x16xf32>,
        %parallel_loop3A_426 = vector.shape_cast %parallel_loop3A_425 : vector<1x16xf32> to vector<16xf32>
        %parallel_loop3A_427 = arith.addf %parallel_loop3A_395, %parallel_loop3A_426 : vector<16xf32>
        %parallel_loop3A_428 = arith.constant 0 : i32
        %parallel_loop3A_429 = arith.constant 0 : i32
        %parallel_loop3A_430 = tpu.memref_slice %arg6[%parallel_loop3A_311, %parallel_loop3A_428, %parallel_loop3A_429] : memref<4x128x128xf32, #tpu.memory_space<vmem>> -> memref<1x128x128xf32, #tpu.memory_space<vmem>>
        %parallel_loop3A_431 = tpu.memref_squeeze %parallel_loop3A_430 : memref<1x128x128xf32, #tpu.memory_space<vmem>> -> memref<128x128xf32, #tpu.memory_space<vmem>>
        %parallel_loop3A_432 = arith.index_cast %parallel_loop3A_392 : i32 to index
        %parallel_loop3A_433 = arith.constant 48 : index
        %parallel_loop3A_434 = tpu.vector_load %parallel_loop3A_431[%parallel_loop3A_432, %parallel_loop3A_433] {strides = array<i32>} : memref<128x128xf32, #tpu.memory_space<vmem>>, vector<1x16xf32>,
        %parallel_loop3A_435 = vector.shape_cast %parallel_loop3A_434 : vector<1x16xf32> to vector<16xf32>
        %parallel_loop3A_436 = arith.addf %parallel_loop3A_396, %parallel_loop3A_435 : vector<16xf32>
        %parallel_loop3A_437 = arith.constant 0 : i32
        %parallel_loop3A_438 = arith.constant 0 : i32
        %parallel_loop3A_439 = tpu.memref_slice %arg6[%parallel_loop3A_311, %parallel_loop3A_437, %parallel_loop3A_438] : memref<4x128x128xf32, #tpu.memory_space<vmem>> -> memref<1x128x128xf32, #tpu.memory_space<vmem>>
        %parallel_loop3A_440 = tpu.memref_squeeze %parallel_loop3A_439 : memref<1x128x128xf32, #tpu.memory_space<vmem>> -> memref<128x128xf32, #tpu.memory_space<vmem>>
        %parallel_loop3A_441 = arith.index_cast %parallel_loop3A_392 : i32 to index
        %parallel_loop3A_442 = arith.constant 64 : index
        %parallel_loop3A_443 = tpu.vector_load %parallel_loop3A_440[%parallel_loop3A_441, %parallel_loop3A_442] {strides = array<i32>} : memref<128x128xf32, #tpu.memory_space<vmem>>, vector<1x16xf32>,
        %parallel_loop3A_444 = vector.shape_cast %parallel_loop3A_443 : vector<1x16xf32> to vector<16xf32>
        %parallel_loop3A_445 = arith.addf %parallel_loop3A_397, %parallel_loop3A_444 : vector<16xf32>
        %parallel_loop3A_446 = arith.constant 0 : i32
        %parallel_loop3A_447 = arith.constant 0 : i32
        %parallel_loop3A_448 = tpu.memref_slice %arg6[%parallel_loop3A_311, %parallel_loop3A_446, %parallel_loop3A_447] : memref<4x128x128xf32, #tpu.memory_space<vmem>> -> memref<1x128x128xf32, #tpu.memory_space<vmem>>
        %parallel_loop3A_449 = tpu.memref_squeeze %parallel_loop3A_448 : memref<1x128x128xf32, #tpu.memory_space<vmem>> -> memref<128x128xf32, #tpu.memory_space<vmem>>
        %parallel_loop3A_450 = arith.index_cast %parallel_loop3A_392 : i32 to index
        %parallel_loop3A_451 = arith.constant 80 : index
        %parallel_loop3A_452 = tpu.vector_load %parallel_loop3A_449[%parallel_loop3A_450, %parallel_loop3A_451] {strides = array<i32>} : memref<128x128xf32, #tpu.memory_space<vmem>>, vector<1x16xf32>,
        %parallel_loop3A_453 = vector.shape_cast %parallel_loop3A_452 : vector<1x16xf32> to vector<16xf32>
        %parallel_loop3A_454 = arith.addf %parallel_loop3A_398, %parallel_loop3A_453 : vector<16xf32>
        %parallel_loop3A_455 = arith.constant 0 : i32
        %parallel_loop3A_456 = arith.constant 0 : i32
        %parallel_loop3A_457 = tpu.memref_slice %arg6[%parallel_loop3A_311, %parallel_loop3A_455, %parallel_loop3A_456] : memref<4x128x128xf32, #tpu.memory_space<vmem>> -> memref<1x128x128xf32, #tpu.memory_space<vmem>>
        %parallel_loop3A_458 = tpu.memref_squeeze %parallel_loop3A_457 : memref<1x128x128xf32, #tpu.memory_space<vmem>> -> memref<128x128xf32, #tpu.memory_space<vmem>>
        %parallel_loop3A_459 = arith.index_cast %parallel_loop3A_392 : i32 to index
        %parallel_loop3A_460 = arith.constant 96 : index
        %parallel_loop3A_461 = tpu.vector_load %parallel_loop3A_458[%parallel_loop3A_459, %parallel_loop3A_460] {strides = array<i32>} : memref<128x128xf32, #tpu.memory_space<vmem>>, vector<1x16xf32>,
        %parallel_loop3A_462 = vector.shape_cast %parallel_loop3A_461 : vector<1x16xf32> to vector<16xf32>
        %parallel_loop3A_463 = arith.addf %parallel_loop3A_399, %parallel_loop3A_462 : vector<16xf32>
        %parallel_loop3A_464 = arith.constant 0 : i32
        %parallel_loop3A_465 = arith.constant 0 : i32
        %parallel_loop3A_466 = tpu.memref_slice %arg6[%parallel_loop3A_311, %parallel_loop3A_464, %parallel_loop3A_465] : memref<4x128x128xf32, #tpu.memory_space<vmem>> -> memref<1x128x128xf32, #tpu.memory_space<vmem>>
        %parallel_loop3A_467 = tpu.memref_squeeze %parallel_loop3A_466 : memref<1x128x128xf32, #tpu.memory_space<vmem>> -> memref<128x128xf32, #tpu.memory_space<vmem>>
        %parallel_loop3A_468 = arith.index_cast %parallel_loop3A_392 : i32 to index
        %parallel_loop3A_469 = arith.constant 112 : index
        %parallel_loop3A_470 = tpu.vector_load %parallel_loop3A_467[%parallel_loop3A_468, %parallel_loop3A_469] {strides = array<i32>} : memref<128x128xf32, #tpu.memory_space<vmem>>, vector<1x16xf32>,
        %parallel_loop3A_471 = vector.shape_cast %parallel_loop3A_470 : vector<1x16xf32> to vector<16xf32>
        %parallel_loop3A_472 = arith.addf %parallel_loop3A_400, %parallel_loop3A_471 : vector<16xf32>
        scf.yield %parallel_loop3A_409, %parallel_loop3A_418, %parallel_loop3A_427, %parallel_loop3A_436, %parallel_loop3A_445, %parallel_loop3A_454, %parallel_loop3A_463, %parallel_loop3A_472 : vector<16xf32>, vector<16xf32>, vector<16xf32>, vector<16xf32>, vector<16xf32>, vector<16xf32>, vector<16xf32>, vector<16xf32>
      } {sc.loop_unroll_factor = 4 : i64, sc.parallel_access}
      %add3A_313 = arith.constant 4 : i32
      %add3A_314 = arith.addi %add3A_285, %add3A_313 : i32
      %lt3A_315 = arith.cmpi slt, %add3A_314, %select_n3A_129 : i32
      %convert_element_type3A_316 = arith.extui %lt3A_315 : i1 to i32
      %cond3A_317 = arith.constant 1 : i32
      %cond3A_318 = arith.constant 0 : i32
      %cond3A_319 = arith.cmpi ne, %convert_element_type3A_316, %cond3A_318 : i32
      scf.if %cond3A_319 {
        %mul3A_392 = arith.constant 128 : i32
        %mul3A_393 = arith.muli %add3A_314, %mul3A_392 : i32
        %add3A_394 = arith.addi %mul3A_100, %mul3A_393 : i32
        %min3A_395 = arith.constant 32640 : i32
        %min3A_396 = arith.minsi %add3A_394, %min3A_395 : i32
        %dma_start3A = arith.constant 0 : i32
        %dma_start3A_397 = arith.constant 0 : i32
        %dma_start3A_398 = tpu.memref_slice %arg6[%cond3A_317, %dma_start3A, %dma_start3A_397] : memref<4x128x128xf32, #tpu.memory_space<vmem>> -> memref<1x128x128xf32, #tpu.memory_space<vmem>>
        %dma_start3A_399 = tpu.memref_squeeze %dma_start3A_398 : memref<1x128x128xf32, #tpu.memory_space<vmem>> -> memref<128x128xf32, #tpu.memory_space<vmem>>
        %dma_start3A_400 = arith.constant 0 : i32
        %dma_start3A_401 = tpu.memref_slice %arg2[%min3A_396, %dma_start3A_400] : memref<32768x128xf32, #tpu.memory_space<hbm>> -> memref<128x128xf32, #tpu.memory_space<hbm>>
        %dma_start3A_402 = arith.constant 0 : i32
        %dma_start3A_403 = arith.constant 0 : i32
        %dma_start3A_404 = tpu.memref_slice %arg6[%cond3A_317, %dma_start3A_402, %dma_start3A_403] : memref<4x128x128xf32, #tpu.memory_space<vmem>> -> memref<1x128x128xf32, #tpu.memory_space<vmem>>
        %dma_start3A_405 = tpu.memref_squeeze %dma_start3A_404 : memref<1x128x128xf32, #tpu.memory_space<vmem>> -> memref<128x128xf32, #tpu.memory_space<vmem>>
        %dma_start3A_406 = arith.constant 0 : i32
        %dma_start3A_407 = tpu.memref_slice %arg2[%min3A_396, %dma_start3A_406] : memref<32768x128xf32, #tpu.memory_space<hbm>> -> memref<128x128xf32, #tpu.memory_space<hbm>>
        tpu.enqueue_dma source(%dma_start3A_407 : memref<128x128xf32, #tpu.memory_space<hbm>>) target(%dma_start3A_405 : memref<128x128xf32, #tpu.memory_space<vmem>>) target_semaphore(%arg13 : memref<!tpu.dma_semaphore, #tpu.memory_space<semaphore_mem>>)
      } else {
      }
      %add3A_320 = arith.constant 2 : i32
      %add3A_321 = arith.addi %mul3A_250, %add3A_320 : i32
      %lt3A_322 = arith.cmpi slt, %add3A_321, %select_n3A_129 : i32
      %convert_element_type3A_323 = arith.extui %lt3A_322 : i1 to i32
      %cond3A_324 = arith.constant 2 : i32
      %cond3A_325 = arith.constant 0 : i32
      %cond3A_326 = arith.cmpi ne, %convert_element_type3A_323, %cond3A_325 : i32
      scf.if %cond3A_326 {
        %dma_wait3A = arith.constant 0 : i32
        %dma_wait3A_392 = arith.constant 0 : i32
        %dma_wait3A_393 = tpu.memref_slice %arg6[%cond3A_324, %dma_wait3A, %dma_wait3A_392] : memref<4x128x128xf32, #tpu.memory_space<vmem>> -> memref<1x128x128xf32, #tpu.memory_space<vmem>>
        %dma_wait3A_394 = tpu.memref_squeeze %dma_wait3A_393 : memref<1x128x128xf32, #tpu.memory_space<vmem>> -> memref<128x128xf32, #tpu.memory_space<vmem>>
        %dma_wait3A_395 = arith.constant 0 : i32
        %dma_wait3A_396 = arith.constant 0 : i32
        %dma_wait3A_397 = tpu.memref_slice %arg2[%dma_wait3A_395, %dma_wait3A_396] : memref<32768x128xf32, #tpu.memory_space<hbm>> -> memref<128x128xf32, #tpu.memory_space<hbm>>
        %dma_wait3A_398 = arith.constant 0 : i32
        %dma_wait3A_399 = arith.constant 0 : i32
        %dma_wait3A_400 = tpu.memref_slice %arg6[%cond3A_324, %dma_wait3A_398, %dma_wait3A_399] : memref<4x128x128xf32, #tpu.memory_space<vmem>> -> memref<1x128x128xf32, #tpu.memory_space<vmem>>
        %dma_wait3A_401 = tpu.memref_squeeze %dma_wait3A_400 : memref<1x128x128xf32, #tpu.memory_space<vmem>> -> memref<128x128xf32, #tpu.memory_space<vmem>>
        %dma_wait3A_402 = arith.constant 0 : i32
        %dma_wait3A_403 = arith.constant 0 : i32
        %dma_wait3A_404 = tpu.memref_slice %arg2[%dma_wait3A_402, %dma_wait3A_403] : memref<32768x128xf32, #tpu.memory_space<hbm>> -> memref<128x128xf32, #tpu.memory_space<hbm>>
        tpu.wait_dma2 semaphore(%arg14 : memref<!tpu.dma_semaphore, #tpu.memory_space<semaphore_mem>>) src(%dma_wait3A_404 : memref<128x128xf32, #tpu.memory_space<hbm>>) dst(%dma_wait3A_401 : memref<128x128xf32, #tpu.memory_space<vmem>>)
      } else {
      }
      %mul3A_327 = arith.constant 128 : i32
      %mul3A_328 = arith.muli %add3A_321, %mul3A_327 : i32
      %add3A_329 = arith.addi %mul3A_100, %mul3A_328 : i32
      %max3A_330 = arith.maxsi %add3A_68, %add3A_329 : i32
      %mul3A_331 = arith.constant 128 : i32
      %mul3A_332 = arith.muli %add3A_321, %mul3A_331 : i32
      %add3A_333 = arith.addi %mul3A_100, %mul3A_332 : i32
      %min3A_334 = arith.constant 32640 : i32
      %min3A_335 = arith.minsi %add3A_333, %min3A_334 : i32
      %sub3A_336 = arith.subi %max3A_330, %min3A_335 : i32
      %add3A_337 = arith.constant 128 : i32
      %add3A_338 = arith.addi %add3A_329, %add3A_337 : i32
      %min3A_339 = arith.minsi %add3A_74, %add3A_338 : i32
      %mul3A_340 = arith.constant 128 : i32
      %mul3A_341 = arith.muli %add3A_321, %mul3A_340 : i32
      %add3A_342 = arith.addi %mul3A_100, %mul3A_341 : i32
      %min3A_343 = arith.constant 32640 : i32
      %min3A_344 = arith.minsi %add3A_342, %min3A_343 : i32
      %sub3A_345 = arith.subi %min3A_339, %min3A_344 : i32
      %parallel_loop3A_346 = arith.constant 1 : i32
      %parallel_loop3A_347 = arith.constant 2 : i32
      %parallel_loop3A_348:8 = scf.for %parallel_loop3A_392 = %sub3A_336 to %sub3A_345 step %parallel_loop3A_346 iter_args(%parallel_loop3A_393 = %parallel_loop3A_312#0, %parallel_loop3A_394 = %parallel_loop3A_312#1, %parallel_loop3A_395 = %parallel_loop3A_312#2, %parallel_loop3A_396 = %parallel_loop3A_312#3, %parallel_loop3A_397 = %parallel_loop3A_312#4, %parallel_loop3A_398 = %parallel_loop3A_312#5, %parallel_loop3A_399 = %parallel_loop3A_312#6, %parallel_loop3A_400 = %parallel_loop3A_312#7) -> (vector<16xf32>, vector<16xf32>, vector<16xf32>, vector<16xf32>, vector<16xf32>, vector<16xf32>, vector<16xf32>, vector<16xf32>)  : i32 {
        %parallel_loop3A_401 = arith.constant 0 : i32
        %parallel_loop3A_402 = arith.constant 0 : i32
        %parallel_loop3A_403 = tpu.memref_slice %arg6[%parallel_loop3A_347, %parallel_loop3A_401, %parallel_loop3A_402] : memref<4x128x128xf32, #tpu.memory_space<vmem>> -> memref<1x128x128xf32, #tpu.memory_space<vmem>>
        %parallel_loop3A_404 = tpu.memref_squeeze %parallel_loop3A_403 : memref<1x128x128xf32, #tpu.memory_space<vmem>> -> memref<128x128xf32, #tpu.memory_space<vmem>>
        %parallel_loop3A_405 = arith.index_cast %parallel_loop3A_392 : i32 to index
        %parallel_loop3A_406 = arith.constant 0 : index
        %parallel_loop3A_407 = tpu.vector_load %parallel_loop3A_404[%parallel_loop3A_405, %parallel_loop3A_406] {strides = array<i32>} : memref<128x128xf32, #tpu.memory_space<vmem>>, vector<1x16xf32>,
        %parallel_loop3A_408 = vector.shape_cast %parallel_loop3A_407 : vector<1x16xf32> to vector<16xf32>
        %parallel_loop3A_409 = arith.addf %parallel_loop3A_393, %parallel_loop3A_408 : vector<16xf32>
        %parallel_loop3A_410 = arith.constant 0 : i32
        %parallel_loop3A_411 = arith.constant 0 : i32
        %parallel_loop3A_412 = tpu.memref_slice %arg6[%parallel_loop3A_347, %parallel_loop3A_410, %parallel_loop3A_411] : memref<4x128x128xf32, #tpu.memory_space<vmem>> -> memref<1x128x128xf32, #tpu.memory_space<vmem>>
        %parallel_loop3A_413 = tpu.memref_squeeze %parallel_loop3A_412 : memref<1x128x128xf32, #tpu.memory_space<vmem>> -> memref<128x128xf32, #tpu.memory_space<vmem>>
        %parallel_loop3A_414 = arith.index_cast %parallel_loop3A_392 : i32 to index
        %parallel_loop3A_415 = arith.constant 16 : index
        %parallel_loop3A_416 = tpu.vector_load %parallel_loop3A_413[%parallel_loop3A_414, %parallel_loop3A_415] {strides = array<i32>} : memref<128x128xf32, #tpu.memory_space<vmem>>, vector<1x16xf32>,
        %parallel_loop3A_417 = vector.shape_cast %parallel_loop3A_416 : vector<1x16xf32> to vector<16xf32>
        %parallel_loop3A_418 = arith.addf %parallel_loop3A_394, %parallel_loop3A_417 : vector<16xf32>
        %parallel_loop3A_419 = arith.constant 0 : i32
        %parallel_loop3A_420 = arith.constant 0 : i32
        %parallel_loop3A_421 = tpu.memref_slice %arg6[%parallel_loop3A_347, %parallel_loop3A_419, %parallel_loop3A_420] : memref<4x128x128xf32, #tpu.memory_space<vmem>> -> memref<1x128x128xf32, #tpu.memory_space<vmem>>
        %parallel_loop3A_422 = tpu.memref_squeeze %parallel_loop3A_421 : memref<1x128x128xf32, #tpu.memory_space<vmem>> -> memref<128x128xf32, #tpu.memory_space<vmem>>
        %parallel_loop3A_423 = arith.index_cast %parallel_loop3A_392 : i32 to index
        %parallel_loop3A_424 = arith.constant 32 : index
        %parallel_loop3A_425 = tpu.vector_load %parallel_loop3A_422[%parallel_loop3A_423, %parallel_loop3A_424] {strides = array<i32>} : memref<128x128xf32, #tpu.memory_space<vmem>>, vector<1x16xf32>,
        %parallel_loop3A_426 = vector.shape_cast %parallel_loop3A_425 : vector<1x16xf32> to vector<16xf32>
        %parallel_loop3A_427 = arith.addf %parallel_loop3A_395, %parallel_loop3A_426 : vector<16xf32>
        %parallel_loop3A_428 = arith.constant 0 : i32
        %parallel_loop3A_429 = arith.constant 0 : i32
        %parallel_loop3A_430 = tpu.memref_slice %arg6[%parallel_loop3A_347, %parallel_loop3A_428, %parallel_loop3A_429] : memref<4x128x128xf32, #tpu.memory_space<vmem>> -> memref<1x128x128xf32, #tpu.memory_space<vmem>>
        %parallel_loop3A_431 = tpu.memref_squeeze %parallel_loop3A_430 : memref<1x128x128xf32, #tpu.memory_space<vmem>> -> memref<128x128xf32, #tpu.memory_space<vmem>>
        %parallel_loop3A_432 = arith.index_cast %parallel_loop3A_392 : i32 to index
        %parallel_loop3A_433 = arith.constant 48 : index
        %parallel_loop3A_434 = tpu.vector_load %parallel_loop3A_431[%parallel_loop3A_432, %parallel_loop3A_433] {strides = array<i32>} : memref<128x128xf32, #tpu.memory_space<vmem>>, vector<1x16xf32>,
        %parallel_loop3A_435 = vector.shape_cast %parallel_loop3A_434 : vector<1x16xf32> to vector<16xf32>
        %parallel_loop3A_436 = arith.addf %parallel_loop3A_396, %parallel_loop3A_435 : vector<16xf32>
        %parallel_loop3A_437 = arith.constant 0 : i32
        %parallel_loop3A_438 = arith.constant 0 : i32
        %parallel_loop3A_439 = tpu.memref_slice %arg6[%parallel_loop3A_347, %parallel_loop3A_437, %parallel_loop3A_438] : memref<4x128x128xf32, #tpu.memory_space<vmem>> -> memref<1x128x128xf32, #tpu.memory_space<vmem>>
        %parallel_loop3A_440 = tpu.memref_squeeze %parallel_loop3A_439 : memref<1x128x128xf32, #tpu.memory_space<vmem>> -> memref<128x128xf32, #tpu.memory_space<vmem>>
        %parallel_loop3A_441 = arith.index_cast %parallel_loop3A_392 : i32 to index
        %parallel_loop3A_442 = arith.constant 64 : index
        %parallel_loop3A_443 = tpu.vector_load %parallel_loop3A_440[%parallel_loop3A_441, %parallel_loop3A_442] {strides = array<i32>} : memref<128x128xf32, #tpu.memory_space<vmem>>, vector<1x16xf32>,
        %parallel_loop3A_444 = vector.shape_cast %parallel_loop3A_443 : vector<1x16xf32> to vector<16xf32>
        %parallel_loop3A_445 = arith.addf %parallel_loop3A_397, %parallel_loop3A_444 : vector<16xf32>
        %parallel_loop3A_446 = arith.constant 0 : i32
        %parallel_loop3A_447 = arith.constant 0 : i32
        %parallel_loop3A_448 = tpu.memref_slice %arg6[%parallel_loop3A_347, %parallel_loop3A_446, %parallel_loop3A_447] : memref<4x128x128xf32, #tpu.memory_space<vmem>> -> memref<1x128x128xf32, #tpu.memory_space<vmem>>
        %parallel_loop3A_449 = tpu.memref_squeeze %parallel_loop3A_448 : memref<1x128x128xf32, #tpu.memory_space<vmem>> -> memref<128x128xf32, #tpu.memory_space<vmem>>
        %parallel_loop3A_450 = arith.index_cast %parallel_loop3A_392 : i32 to index
        %parallel_loop3A_451 = arith.constant 80 : index
        %parallel_loop3A_452 = tpu.vector_load %parallel_loop3A_449[%parallel_loop3A_450, %parallel_loop3A_451] {strides = array<i32>} : memref<128x128xf32, #tpu.memory_space<vmem>>, vector<1x16xf32>,
        %parallel_loop3A_453 = vector.shape_cast %parallel_loop3A_452 : vector<1x16xf32> to vector<16xf32>
        %parallel_loop3A_454 = arith.addf %parallel_loop3A_398, %parallel_loop3A_453 : vector<16xf32>
        %parallel_loop3A_455 = arith.constant 0 : i32
        %parallel_loop3A_456 = arith.constant 0 : i32
        %parallel_loop3A_457 = tpu.memref_slice %arg6[%parallel_loop3A_347, %parallel_loop3A_455, %parallel_loop3A_456] : memref<4x128x128xf32, #tpu.memory_space<vmem>> -> memref<1x128x128xf32, #tpu.memory_space<vmem>>
        %parallel_loop3A_458 = tpu.memref_squeeze %parallel_loop3A_457 : memref<1x128x128xf32, #tpu.memory_space<vmem>> -> memref<128x128xf32, #tpu.memory_space<vmem>>
        %parallel_loop3A_459 = arith.index_cast %parallel_loop3A_392 : i32 to index
        %parallel_loop3A_460 = arith.constant 96 : index
        %parallel_loop3A_461 = tpu.vector_load %parallel_loop3A_458[%parallel_loop3A_459, %parallel_loop3A_460] {strides = array<i32>} : memref<128x128xf32, #tpu.memory_space<vmem>>, vector<1x16xf32>,
        %parallel_loop3A_462 = vector.shape_cast %parallel_loop3A_461 : vector<1x16xf32> to vector<16xf32>
        %parallel_loop3A_463 = arith.addf %parallel_loop3A_399, %parallel_loop3A_462 : vector<16xf32>
        %parallel_loop3A_464 = arith.constant 0 : i32
        %parallel_loop3A_465 = arith.constant 0 : i32
        %parallel_loop3A_466 = tpu.memref_slice %arg6[%parallel_loop3A_347, %parallel_loop3A_464, %parallel_loop3A_465] : memref<4x128x128xf32, #tpu.memory_space<vmem>> -> memref<1x128x128xf32, #tpu.memory_space<vmem>>
        %parallel_loop3A_467 = tpu.memref_squeeze %parallel_loop3A_466 : memref<1x128x128xf32, #tpu.memory_space<vmem>> -> memref<128x128xf32, #tpu.memory_space<vmem>>
        %parallel_loop3A_468 = arith.index_cast %parallel_loop3A_392 : i32 to index
        %parallel_loop3A_469 = arith.constant 112 : index
        %parallel_loop3A_470 = tpu.vector_load %parallel_loop3A_467[%parallel_loop3A_468, %parallel_loop3A_469] {strides = array<i32>} : memref<128x128xf32, #tpu.memory_space<vmem>>, vector<1x16xf32>,
        %parallel_loop3A_471 = vector.shape_cast %parallel_loop3A_470 : vector<1x16xf32> to vector<16xf32>
        %parallel_loop3A_472 = arith.addf %parallel_loop3A_400, %parallel_loop3A_471 : vector<16xf32>
        scf.yield %parallel_loop3A_409, %parallel_loop3A_418, %parallel_loop3A_427, %parallel_loop3A_436, %parallel_loop3A_445, %parallel_loop3A_454, %parallel_loop3A_463, %parallel_loop3A_472 : vector<16xf32>, vector<16xf32>, vector<16xf32>, vector<16xf32>, vector<16xf32>, vector<16xf32>, vector<16xf32>, vector<16xf32>
      } {sc.loop_unroll_factor = 4 : i64, sc.parallel_access}
      %add3A_349 = arith.constant 4 : i32
      %add3A_350 = arith.addi %add3A_321, %add3A_349 : i32
      %lt3A_351 = arith.cmpi slt, %add3A_350, %select_n3A_129 : i32
      %convert_element_type3A_352 = arith.extui %lt3A_351 : i1 to i32
      %cond3A_353 = arith.constant 2 : i32
      %cond3A_354 = arith.constant 0 : i32
      %cond3A_355 = arith.cmpi ne, %convert_element_type3A_352, %cond3A_354 : i32
      scf.if %cond3A_355 {
        %mul3A_392 = arith.constant 128 : i32
        %mul3A_393 = arith.muli %add3A_350, %mul3A_392 : i32
        %add3A_394 = arith.addi %mul3A_100, %mul3A_393 : i32
        %min3A_395 = arith.constant 32640 : i32
        %min3A_396 = arith.minsi %add3A_394, %min3A_395 : i32
        %dma_start3A = arith.constant 0 : i32
        %dma_start3A_397 = arith.constant 0 : i32
        %dma_start3A_398 = tpu.memref_slice %arg6[%cond3A_353, %dma_start3A, %dma_start3A_397] : memref<4x128x128xf32, #tpu.memory_space<vmem>> -> memref<1x128x128xf32, #tpu.memory_space<vmem>>
        %dma_start3A_399 = tpu.memref_squeeze %dma_start3A_398 : memref<1x128x128xf32, #tpu.memory_space<vmem>> -> memref<128x128xf32, #tpu.memory_space<vmem>>
        %dma_start3A_400 = arith.constant 0 : i32
        %dma_start3A_401 = tpu.memref_slice %arg2[%min3A_396, %dma_start3A_400] : memref<32768x128xf32, #tpu.memory_space<hbm>> -> memref<128x128xf32, #tpu.memory_space<hbm>>
        %dma_start3A_402 = arith.constant 0 : i32
        %dma_start3A_403 = arith.constant 0 : i32
        %dma_start3A_404 = tpu.memref_slice %arg6[%cond3A_353, %dma_start3A_402, %dma_start3A_403] : memref<4x128x128xf32, #tpu.memory_space<vmem>> -> memref<1x128x128xf32, #tpu.memory_space<vmem>>
        %dma_start3A_405 = tpu.memref_squeeze %dma_start3A_404 : memref<1x128x128xf32, #tpu.memory_space<vmem>> -> memref<128x128xf32, #tpu.memory_space<vmem>>
        %dma_start3A_406 = arith.constant 0 : i32
        %dma_start3A_407 = tpu.memref_slice %arg2[%min3A_396, %dma_start3A_406] : memref<32768x128xf32, #tpu.memory_space<hbm>> -> memref<128x128xf32, #tpu.memory_space<hbm>>
        tpu.enqueue_dma source(%dma_start3A_407 : memref<128x128xf32, #tpu.memory_space<hbm>>) target(%dma_start3A_405 : memref<128x128xf32, #tpu.memory_space<vmem>>) target_semaphore(%arg14 : memref<!tpu.dma_semaphore, #tpu.memory_space<semaphore_mem>>)
      } else {
      }
      %add3A_356 = arith.constant 3 : i32
      %add3A_357 = arith.addi %mul3A_250, %add3A_356 : i32
      %lt3A_358 = arith.cmpi slt, %add3A_357, %select_n3A_129 : i32
      %convert_element_type3A_359 = arith.extui %lt3A_358 : i1 to i32
      %cond3A_360 = arith.constant 3 : i32
      %cond3A_361 = arith.constant 0 : i32
      %cond3A_362 = arith.cmpi ne, %convert_element_type3A_359, %cond3A_361 : i32
      scf.if %cond3A_362 {
        %dma_wait3A = arith.constant 0 : i32
        %dma_wait3A_392 = arith.constant 0 : i32
        %dma_wait3A_393 = tpu.memref_slice %arg6[%cond3A_360, %dma_wait3A, %dma_wait3A_392] : memref<4x128x128xf32, #tpu.memory_space<vmem>> -> memref<1x128x128xf32, #tpu.memory_space<vmem>>
        %dma_wait3A_394 = tpu.memref_squeeze %dma_wait3A_393 : memref<1x128x128xf32, #tpu.memory_space<vmem>> -> memref<128x128xf32, #tpu.memory_space<vmem>>
        %dma_wait3A_395 = arith.constant 0 : i32
        %dma_wait3A_396 = arith.constant 0 : i32
        %dma_wait3A_397 = tpu.memref_slice %arg2[%dma_wait3A_395, %dma_wait3A_396] : memref<32768x128xf32, #tpu.memory_space<hbm>> -> memref<128x128xf32, #tpu.memory_space<hbm>>
        %dma_wait3A_398 = arith.constant 0 : i32
        %dma_wait3A_399 = arith.constant 0 : i32
        %dma_wait3A_400 = tpu.memref_slice %arg6[%cond3A_360, %dma_wait3A_398, %dma_wait3A_399] : memref<4x128x128xf32, #tpu.memory_space<vmem>> -> memref<1x128x128xf32, #tpu.memory_space<vmem>>
        %dma_wait3A_401 = tpu.memref_squeeze %dma_wait3A_400 : memref<1x128x128xf32, #tpu.memory_space<vmem>> -> memref<128x128xf32, #tpu.memory_space<vmem>>
        %dma_wait3A_402 = arith.constant 0 : i32
        %dma_wait3A_403 = arith.constant 0 : i32
        %dma_wait3A_404 = tpu.memref_slice %arg2[%dma_wait3A_402, %dma_wait3A_403] : memref<32768x128xf32, #tpu.memory_space<hbm>> -> memref<128x128xf32, #tpu.memory_space<hbm>>
        tpu.wait_dma2 semaphore(%arg15 : memref<!tpu.dma_semaphore, #tpu.memory_space<semaphore_mem>>) src(%dma_wait3A_404 : memref<128x128xf32, #tpu.memory_space<hbm>>) dst(%dma_wait3A_401 : memref<128x128xf32, #tpu.memory_space<vmem>>)
      } else {
      }
      %mul3A_363 = arith.constant 128 : i32
      %mul3A_364 = arith.muli %add3A_357, %mul3A_363 : i32
      %add3A_365 = arith.addi %mul3A_100, %mul3A_364 : i32
      %max3A_366 = arith.maxsi %add3A_68, %add3A_365 : i32
      %mul3A_367 = arith.constant 128 : i32
      %mul3A_368 = arith.muli %add3A_357, %mul3A_367 : i32
      %add3A_369 = arith.addi %mul3A_100, %mul3A_368 : i32
      %min3A_370 = arith.constant 32640 : i32
      %min3A_371 = arith.minsi %add3A_369, %min3A_370 : i32
      %sub3A_372 = arith.subi %max3A_366, %min3A_371 : i32
      %add3A_373 = arith.constant 128 : i32
      %add3A_374 = arith.addi %add3A_365, %add3A_373 : i32
      %min3A_375 = arith.minsi %add3A_74, %add3A_374 : i32
      %mul3A_376 = arith.constant 128 : i32
      %mul3A_377 = arith.muli %add3A_357, %mul3A_376 : i32
      %add3A_378 = arith.addi %mul3A_100, %mul3A_377 : i32
      %min3A_379 = arith.constant 32640 : i32
      %min3A_380 = arith.minsi %add3A_378, %min3A_379 : i32
      %sub3A_381 = arith.subi %min3A_375, %min3A_380 : i32
      %parallel_loop3A_382 = arith.constant 1 : i32
      %parallel_loop3A_383 = arith.constant 3 : i32
      %parallel_loop3A_384:8 = scf.for %parallel_loop3A_392 = %sub3A_372 to %sub3A_381 step %parallel_loop3A_382 iter_args(%parallel_loop3A_393 = %parallel_loop3A_348#0, %parallel_loop3A_394 = %parallel_loop3A_348#1, %parallel_loop3A_395 = %parallel_loop3A_348#2, %parallel_loop3A_396 = %parallel_loop3A_348#3, %parallel_loop3A_397 = %parallel_loop3A_348#4, %parallel_loop3A_398 = %parallel_loop3A_348#5, %parallel_loop3A_399 = %parallel_loop3A_348#6, %parallel_loop3A_400 = %parallel_loop3A_348#7) -> (vector<16xf32>, vector<16xf32>, vector<16xf32>, vector<16xf32>, vector<16xf32>, vector<16xf32>, vector<16xf32>, vector<16xf32>)  : i32 {
        %parallel_loop3A_401 = arith.constant 0 : i32
        %parallel_loop3A_402 = arith.constant 0 : i32
        %parallel_loop3A_403 = tpu.memref_slice %arg6[%parallel_loop3A_383, %parallel_loop3A_401, %parallel_loop3A_402] : memref<4x128x128xf32, #tpu.memory_space<vmem>> -> memref<1x128x128xf32, #tpu.memory_space<vmem>>
        %parallel_loop3A_404 = tpu.memref_squeeze %parallel_loop3A_403 : memref<1x128x128xf32, #tpu.memory_space<vmem>> -> memref<128x128xf32, #tpu.memory_space<vmem>>
        %parallel_loop3A_405 = arith.index_cast %parallel_loop3A_392 : i32 to index
        %parallel_loop3A_406 = arith.constant 0 : index
        %parallel_loop3A_407 = tpu.vector_load %parallel_loop3A_404[%parallel_loop3A_405, %parallel_loop3A_406] {strides = array<i32>} : memref<128x128xf32, #tpu.memory_space<vmem>>, vector<1x16xf32>,
        %parallel_loop3A_408 = vector.shape_cast %parallel_loop3A_407 : vector<1x16xf32> to vector<16xf32>
        %parallel_loop3A_409 = arith.addf %parallel_loop3A_393, %parallel_loop3A_408 : vector<16xf32>
        %parallel_loop3A_410 = arith.constant 0 : i32
        %parallel_loop3A_411 = arith.constant 0 : i32
        %parallel_loop3A_412 = tpu.memref_slice %arg6[%parallel_loop3A_383, %parallel_loop3A_410, %parallel_loop3A_411] : memref<4x128x128xf32, #tpu.memory_space<vmem>> -> memref<1x128x128xf32, #tpu.memory_space<vmem>>
        %parallel_loop3A_413 = tpu.memref_squeeze %parallel_loop3A_412 : memref<1x128x128xf32, #tpu.memory_space<vmem>> -> memref<128x128xf32, #tpu.memory_space<vmem>>
        %parallel_loop3A_414 = arith.index_cast %parallel_loop3A_392 : i32 to index
        %parallel_loop3A_415 = arith.constant 16 : index
        %parallel_loop3A_416 = tpu.vector_load %parallel_loop3A_413[%parallel_loop3A_414, %parallel_loop3A_415] {strides = array<i32>} : memref<128x128xf32, #tpu.memory_space<vmem>>, vector<1x16xf32>,
        %parallel_loop3A_417 = vector.shape_cast %parallel_loop3A_416 : vector<1x16xf32> to vector<16xf32>
        %parallel_loop3A_418 = arith.addf %parallel_loop3A_394, %parallel_loop3A_417 : vector<16xf32>
        %parallel_loop3A_419 = arith.constant 0 : i32
        %parallel_loop3A_420 = arith.constant 0 : i32
        %parallel_loop3A_421 = tpu.memref_slice %arg6[%parallel_loop3A_383, %parallel_loop3A_419, %parallel_loop3A_420] : memref<4x128x128xf32, #tpu.memory_space<vmem>> -> memref<1x128x128xf32, #tpu.memory_space<vmem>>
        %parallel_loop3A_422 = tpu.memref_squeeze %parallel_loop3A_421 : memref<1x128x128xf32, #tpu.memory_space<vmem>> -> memref<128x128xf32, #tpu.memory_space<vmem>>
        %parallel_loop3A_423 = arith.index_cast %parallel_loop3A_392 : i32 to index
        %parallel_loop3A_424 = arith.constant 32 : index
        %parallel_loop3A_425 = tpu.vector_load %parallel_loop3A_422[%parallel_loop3A_423, %parallel_loop3A_424] {strides = array<i32>} : memref<128x128xf32, #tpu.memory_space<vmem>>, vector<1x16xf32>,
        %parallel_loop3A_426 = vector.shape_cast %parallel_loop3A_425 : vector<1x16xf32> to vector<16xf32>
        %parallel_loop3A_427 = arith.addf %parallel_loop3A_395, %parallel_loop3A_426 : vector<16xf32>
        %parallel_loop3A_428 = arith.constant 0 : i32
        %parallel_loop3A_429 = arith.constant 0 : i32
        %parallel_loop3A_430 = tpu.memref_slice %arg6[%parallel_loop3A_383, %parallel_loop3A_428, %parallel_loop3A_429] : memref<4x128x128xf32, #tpu.memory_space<vmem>> -> memref<1x128x128xf32, #tpu.memory_space<vmem>>
        %parallel_loop3A_431 = tpu.memref_squeeze %parallel_loop3A_430 : memref<1x128x128xf32, #tpu.memory_space<vmem>> -> memref<128x128xf32, #tpu.memory_space<vmem>>
        %parallel_loop3A_432 = arith.index_cast %parallel_loop3A_392 : i32 to index
        %parallel_loop3A_433 = arith.constant 48 : index
        %parallel_loop3A_434 = tpu.vector_load %parallel_loop3A_431[%parallel_loop3A_432, %parallel_loop3A_433] {strides = array<i32>} : memref<128x128xf32, #tpu.memory_space<vmem>>, vector<1x16xf32>,
        %parallel_loop3A_435 = vector.shape_cast %parallel_loop3A_434 : vector<1x16xf32> to vector<16xf32>
        %parallel_loop3A_436 = arith.addf %parallel_loop3A_396, %parallel_loop3A_435 : vector<16xf32>
        %parallel_loop3A_437 = arith.constant 0 : i32
        %parallel_loop3A_438 = arith.constant 0 : i32
        %parallel_loop3A_439 = tpu.memref_slice %arg6[%parallel_loop3A_383, %parallel_loop3A_437, %parallel_loop3A_438] : memref<4x128x128xf32, #tpu.memory_space<vmem>> -> memref<1x128x128xf32, #tpu.memory_space<vmem>>
        %parallel_loop3A_440 = tpu.memref_squeeze %parallel_loop3A_439 : memref<1x128x128xf32, #tpu.memory_space<vmem>> -> memref<128x128xf32, #tpu.memory_space<vmem>>
        %parallel_loop3A_441 = arith.index_cast %parallel_loop3A_392 : i32 to index
        %parallel_loop3A_442 = arith.constant 64 : index
        %parallel_loop3A_443 = tpu.vector_load %parallel_loop3A_440[%parallel_loop3A_441, %parallel_loop3A_442] {strides = array<i32>} : memref<128x128xf32, #tpu.memory_space<vmem>>, vector<1x16xf32>,
        %parallel_loop3A_444 = vector.shape_cast %parallel_loop3A_443 : vector<1x16xf32> to vector<16xf32>
        %parallel_loop3A_445 = arith.addf %parallel_loop3A_397, %parallel_loop3A_444 : vector<16xf32>
        %parallel_loop3A_446 = arith.constant 0 : i32
        %parallel_loop3A_447 = arith.constant 0 : i32
        %parallel_loop3A_448 = tpu.memref_slice %arg6[%parallel_loop3A_383, %parallel_loop3A_446, %parallel_loop3A_447] : memref<4x128x128xf32, #tpu.memory_space<vmem>> -> memref<1x128x128xf32, #tpu.memory_space<vmem>>
        %parallel_loop3A_449 = tpu.memref_squeeze %parallel_loop3A_448 : memref<1x128x128xf32, #tpu.memory_space<vmem>> -> memref<128x128xf32, #tpu.memory_space<vmem>>
        %parallel_loop3A_450 = arith.index_cast %parallel_loop3A_392 : i32 to index
        %parallel_loop3A_451 = arith.constant 80 : index
        %parallel_loop3A_452 = tpu.vector_load %parallel_loop3A_449[%parallel_loop3A_450, %parallel_loop3A_451] {strides = array<i32>} : memref<128x128xf32, #tpu.memory_space<vmem>>, vector<1x16xf32>,
        %parallel_loop3A_453 = vector.shape_cast %parallel_loop3A_452 : vector<1x16xf32> to vector<16xf32>
        %parallel_loop3A_454 = arith.addf %parallel_loop3A_398, %parallel_loop3A_453 : vector<16xf32>
        %parallel_loop3A_455 = arith.constant 0 : i32
        %parallel_loop3A_456 = arith.constant 0 : i32
        %parallel_loop3A_457 = tpu.memref_slice %arg6[%parallel_loop3A_383, %parallel_loop3A_455, %parallel_loop3A_456] : memref<4x128x128xf32, #tpu.memory_space<vmem>> -> memref<1x128x128xf32, #tpu.memory_space<vmem>>
        %parallel_loop3A_458 = tpu.memref_squeeze %parallel_loop3A_457 : memref<1x128x128xf32, #tpu.memory_space<vmem>> -> memref<128x128xf32, #tpu.memory_space<vmem>>
        %parallel_loop3A_459 = arith.index_cast %parallel_loop3A_392 : i32 to index
        %parallel_loop3A_460 = arith.constant 96 : index
        %parallel_loop3A_461 = tpu.vector_load %parallel_loop3A_458[%parallel_loop3A_459, %parallel_loop3A_460] {strides = array<i32>} : memref<128x128xf32, #tpu.memory_space<vmem>>, vector<1x16xf32>,
        %parallel_loop3A_462 = vector.shape_cast %parallel_loop3A_461 : vector<1x16xf32> to vector<16xf32>
        %parallel_loop3A_463 = arith.addf %parallel_loop3A_399, %parallel_loop3A_462 : vector<16xf32>
        %parallel_loop3A_464 = arith.constant 0 : i32
        %parallel_loop3A_465 = arith.constant 0 : i32
        %parallel_loop3A_466 = tpu.memref_slice %arg6[%parallel_loop3A_383, %parallel_loop3A_464, %parallel_loop3A_465] : memref<4x128x128xf32, #tpu.memory_space<vmem>> -> memref<1x128x128xf32, #tpu.memory_space<vmem>>
        %parallel_loop3A_467 = tpu.memref_squeeze %parallel_loop3A_466 : memref<1x128x128xf32, #tpu.memory_space<vmem>> -> memref<128x128xf32, #tpu.memory_space<vmem>>
        %parallel_loop3A_468 = arith.index_cast %parallel_loop3A_392 : i32 to index
        %parallel_loop3A_469 = arith.constant 112 : index
        %parallel_loop3A_470 = tpu.vector_load %parallel_loop3A_467[%parallel_loop3A_468, %parallel_loop3A_469] {strides = array<i32>} : memref<128x128xf32, #tpu.memory_space<vmem>>, vector<1x16xf32>,
        %parallel_loop3A_471 = vector.shape_cast %parallel_loop3A_470 : vector<1x16xf32> to vector<16xf32>
        %parallel_loop3A_472 = arith.addf %parallel_loop3A_400, %parallel_loop3A_471 : vector<16xf32>
        scf.yield %parallel_loop3A_409, %parallel_loop3A_418, %parallel_loop3A_427, %parallel_loop3A_436, %parallel_loop3A_445, %parallel_loop3A_454, %parallel_loop3A_463, %parallel_loop3A_472 : vector<16xf32>, vector<16xf32>, vector<16xf32>, vector<16xf32>, vector<16xf32>, vector<16xf32>, vector<16xf32>, vector<16xf32>
      } {sc.loop_unroll_factor = 4 : i64, sc.parallel_access}
      %add3A_385 = arith.constant 4 : i32
      %add3A_386 = arith.addi %add3A_357, %add3A_385 : i32
      %lt3A_387 = arith.cmpi slt, %add3A_386, %select_n3A_129 : i32
      %convert_element_type3A_388 = arith.extui %lt3A_387 : i1 to i32
      %cond3A_389 = arith.constant 3 : i32
      %cond3A_390 = arith.constant 0 : i32
      %cond3A_391 = arith.cmpi ne, %convert_element_type3A_388, %cond3A_390 : i32
      scf.if %cond3A_391 {
        %mul3A_392 = arith.constant 128 : i32
        %mul3A_393 = arith.muli %add3A_386, %mul3A_392 : i32
        %add3A_394 = arith.addi %mul3A_100, %mul3A_393 : i32
        %min3A_395 = arith.constant 32640 : i32
        %min3A_396 = arith.minsi %add3A_394, %min3A_395 : i32
        %dma_start3A = arith.constant 0 : i32
        %dma_start3A_397 = arith.constant 0 : i32
        %dma_start3A_398 = tpu.memref_slice %arg6[%cond3A_389, %dma_start3A, %dma_start3A_397] : memref<4x128x128xf32, #tpu.memory_space<vmem>> -> memref<1x128x128xf32, #tpu.memory_space<vmem>>
        %dma_start3A_399 = tpu.memref_squeeze %dma_start3A_398 : memref<1x128x128xf32, #tpu.memory_space<vmem>> -> memref<128x128xf32, #tpu.memory_space<vmem>>
        %dma_start3A_400 = arith.constant 0 : i32
        %dma_start3A_401 = tpu.memref_slice %arg2[%min3A_396, %dma_start3A_400] : memref<32768x128xf32, #tpu.memory_space<hbm>> -> memref<128x128xf32, #tpu.memory_space<hbm>>
        %dma_start3A_402 = arith.constant 0 : i32
        %dma_start3A_403 = arith.constant 0 : i32
        %dma_start3A_404 = tpu.memref_slice %arg6[%cond3A_389, %dma_start3A_402, %dma_start3A_403] : memref<4x128x128xf32, #tpu.memory_space<vmem>> -> memref<1x128x128xf32, #tpu.memory_space<vmem>>
        %dma_start3A_405 = tpu.memref_squeeze %dma_start3A_404 : memref<1x128x128xf32, #tpu.memory_space<vmem>> -> memref<128x128xf32, #tpu.memory_space<vmem>>
        %dma_start3A_406 = arith.constant 0 : i32
        %dma_start3A_407 = tpu.memref_slice %arg2[%min3A_396, %dma_start3A_406] : memref<32768x128xf32, #tpu.memory_space<hbm>> -> memref<128x128xf32, #tpu.memory_space<hbm>>
        tpu.enqueue_dma source(%dma_start3A_407 : memref<128x128xf32, #tpu.memory_space<hbm>>) target(%dma_start3A_405 : memref<128x128xf32, #tpu.memory_space<vmem>>) target_semaphore(%arg15 : memref<!tpu.dma_semaphore, #tpu.memory_space<semaphore_mem>>)
      } else {
      }
      scf.yield %parallel_loop3A_384#0, %parallel_loop3A_384#1, %parallel_loop3A_384#2, %parallel_loop3A_384#3, %parallel_loop3A_384#4, %parallel_loop3A_384#5, %parallel_loop3A_384#6, %parallel_loop3A_384#7 : vector<16xf32>, vector<16xf32>, vector<16xf32>, vector<16xf32>, vector<16xf32>, vector<16xf32>, vector<16xf32>, vector<16xf32>
    }
    %while3A_202 = arith.constant 1 : i32
    %while3A_203:8 = scf.for %while3A_240 = %while3A_199 to %while3A_195 step %while3A_202 iter_args(%while3A_241 = %while3A_201#0, %while3A_242 = %while3A_201#1, %while3A_243 = %while3A_201#2, %while3A_244 = %while3A_201#3, %while3A_245 = %while3A_201#4, %while3A_246 = %while3A_201#5, %while3A_247 = %while3A_201#6, %while3A_248 = %while3A_201#7) -> (vector<16xf32>, vector<16xf32>, vector<16xf32>, vector<16xf32>, vector<16xf32>, vector<16xf32>, vector<16xf32>, vector<16xf32>)  : i32 {
      %mul3A_249 = arith.constant 4 : i32
      %mul3A_250 = arith.muli %mul3A_249, %while3A_240 : i32
      %add3A_251 = arith.constant 0 : i32
      %add3A_252 = arith.addi %mul3A_250, %add3A_251 : i32
      %lt3A_253 = arith.cmpi slt, %add3A_252, %select_n3A_129 : i32
      %convert_element_type3A_254 = arith.extui %lt3A_253 : i1 to i32
      %cond3A_255 = arith.constant 0 : i32
      %cond3A_256 = arith.constant 0 : i32
      %cond3A_257 = arith.cmpi ne, %convert_element_type3A_254, %cond3A_256 : i32
      scf.if %cond3A_257 {
        %dma_wait3A = arith.constant 0 : i32
        %dma_wait3A_392 = arith.constant 0 : i32
        %dma_wait3A_393 = tpu.memref_slice %arg6[%cond3A_255, %dma_wait3A, %dma_wait3A_392] : memref<4x128x128xf32, #tpu.memory_space<vmem>> -> memref<1x128x128xf32, #tpu.memory_space<vmem>>
        %dma_wait3A_394 = tpu.memref_squeeze %dma_wait3A_393 : memref<1x128x128xf32, #tpu.memory_space<vmem>> -> memref<128x128xf32, #tpu.memory_space<vmem>>
        %dma_wait3A_395 = arith.constant 0 : i32
        %dma_wait3A_396 = arith.constant 0 : i32
        %dma_wait3A_397 = tpu.memref_slice %arg2[%dma_wait3A_395, %dma_wait3A_396] : memref<32768x128xf32, #tpu.memory_space<hbm>> -> memref<128x128xf32, #tpu.memory_space<hbm>>
        %dma_wait3A_398 = arith.constant 0 : i32
        %dma_wait3A_399 = arith.constant 0 : i32
        %dma_wait3A_400 = tpu.memref_slice %arg6[%cond3A_255, %dma_wait3A_398, %dma_wait3A_399] : memref<4x128x128xf32, #tpu.memory_space<vmem>> -> memref<1x128x128xf32, #tpu.memory_space<vmem>>
        %dma_wait3A_401 = tpu.memref_squeeze %dma_wait3A_400 : memref<1x128x128xf32, #tpu.memory_space<vmem>> -> memref<128x128xf32, #tpu.memory_space<vmem>>
        %dma_wait3A_402 = arith.constant 0 : i32
        %dma_wait3A_403 = arith.constant 0 : i32
        %dma_wait3A_404 = tpu.memref_slice %arg2[%dma_wait3A_402, %dma_wait3A_403] : memref<32768x128xf32, #tpu.memory_space<hbm>> -> memref<128x128xf32, #tpu.memory_space<hbm>>
        tpu.wait_dma2 semaphore(%arg12 : memref<!tpu.dma_semaphore, #tpu.memory_space<semaphore_mem>>) src(%dma_wait3A_404 : memref<128x128xf32, #tpu.memory_space<hbm>>) dst(%dma_wait3A_401 : memref<128x128xf32, #tpu.memory_space<vmem>>)
      } else {
      }
      %mul3A_258 = arith.constant 128 : i32
      %mul3A_259 = arith.muli %add3A_252, %mul3A_258 : i32
      %add3A_260 = arith.addi %mul3A_100, %mul3A_259 : i32
      %max3A = arith.maxsi %add3A_68, %add3A_260 : i32
      %mul3A_261 = arith.constant 128 : i32
      %mul3A_262 = arith.muli %add3A_252, %mul3A_261 : i32
      %add3A_263 = arith.addi %mul3A_100, %mul3A_262 : i32
      %min3A = arith.constant 32640 : i32
      %min3A_264 = arith.minsi %add3A_263, %min3A : i32
      %sub3A_265 = arith.subi %max3A, %min3A_264 : i32
      %add3A_266 = arith.constant 128 : i32
      %add3A_267 = arith.addi %add3A_260, %add3A_266 : i32
      %min3A_268 = arith.minsi %add3A_74, %add3A_267 : i32
      %mul3A_269 = arith.constant 128 : i32
      %mul3A_270 = arith.muli %add3A_252, %mul3A_269 : i32
      %add3A_271 = arith.addi %mul3A_100, %mul3A_270 : i32
      %min3A_272 = arith.constant 32640 : i32
      %min3A_273 = arith.minsi %add3A_271, %min3A_272 : i32
      %sub3A_274 = arith.subi %min3A_268, %min3A_273 : i32
      %parallel_loop3A = arith.constant 1 : i32
      %parallel_loop3A_275 = arith.constant 0 : i32
      %parallel_loop3A_276:8 = scf.for %parallel_loop3A_392 = %sub3A_265 to %sub3A_274 step %parallel_loop3A iter_args(%parallel_loop3A_393 = %while3A_241, %parallel_loop3A_394 = %while3A_242, %parallel_loop3A_395 = %while3A_243, %parallel_loop3A_396 = %while3A_244, %parallel_loop3A_397 = %while3A_245, %parallel_loop3A_398 = %while3A_246, %parallel_loop3A_399 = %while3A_247, %parallel_loop3A_400 = %while3A_248) -> (vector<16xf32>, vector<16xf32>, vector<16xf32>, vector<16xf32>, vector<16xf32>, vector<16xf32>, vector<16xf32>, vector<16xf32>)  : i32 {
        %parallel_loop3A_401 = arith.constant 0 : i32
        %parallel_loop3A_402 = arith.constant 0 : i32
        %parallel_loop3A_403 = tpu.memref_slice %arg6[%parallel_loop3A_275, %parallel_loop3A_401, %parallel_loop3A_402] : memref<4x128x128xf32, #tpu.memory_space<vmem>> -> memref<1x128x128xf32, #tpu.memory_space<vmem>>
        %parallel_loop3A_404 = tpu.memref_squeeze %parallel_loop3A_403 : memref<1x128x128xf32, #tpu.memory_space<vmem>> -> memref<128x128xf32, #tpu.memory_space<vmem>>
        %parallel_loop3A_405 = arith.index_cast %parallel_loop3A_392 : i32 to index
        %parallel_loop3A_406 = arith.constant 0 : index
        %parallel_loop3A_407 = tpu.vector_load %parallel_loop3A_404[%parallel_loop3A_405, %parallel_loop3A_406] {strides = array<i32>} : memref<128x128xf32, #tpu.memory_space<vmem>>, vector<1x16xf32>,
        %parallel_loop3A_408 = vector.shape_cast %parallel_loop3A_407 : vector<1x16xf32> to vector<16xf32>
        %parallel_loop3A_409 = arith.addf %parallel_loop3A_393, %parallel_loop3A_408 : vector<16xf32>
        %parallel_loop3A_410 = arith.constant 0 : i32
        %parallel_loop3A_411 = arith.constant 0 : i32
        %parallel_loop3A_412 = tpu.memref_slice %arg6[%parallel_loop3A_275, %parallel_loop3A_410, %parallel_loop3A_411] : memref<4x128x128xf32, #tpu.memory_space<vmem>> -> memref<1x128x128xf32, #tpu.memory_space<vmem>>
        %parallel_loop3A_413 = tpu.memref_squeeze %parallel_loop3A_412 : memref<1x128x128xf32, #tpu.memory_space<vmem>> -> memref<128x128xf32, #tpu.memory_space<vmem>>
        %parallel_loop3A_414 = arith.index_cast %parallel_loop3A_392 : i32 to index
        %parallel_loop3A_415 = arith.constant 16 : index
        %parallel_loop3A_416 = tpu.vector_load %parallel_loop3A_413[%parallel_loop3A_414, %parallel_loop3A_415] {strides = array<i32>} : memref<128x128xf32, #tpu.memory_space<vmem>>, vector<1x16xf32>,
        %parallel_loop3A_417 = vector.shape_cast %parallel_loop3A_416 : vector<1x16xf32> to vector<16xf32>
        %parallel_loop3A_418 = arith.addf %parallel_loop3A_394, %parallel_loop3A_417 : vector<16xf32>
        %parallel_loop3A_419 = arith.constant 0 : i32
        %parallel_loop3A_420 = arith.constant 0 : i32
        %parallel_loop3A_421 = tpu.memref_slice %arg6[%parallel_loop3A_275, %parallel_loop3A_419, %parallel_loop3A_420] : memref<4x128x128xf32, #tpu.memory_space<vmem>> -> memref<1x128x128xf32, #tpu.memory_space<vmem>>
        %parallel_loop3A_422 = tpu.memref_squeeze %parallel_loop3A_421 : memref<1x128x128xf32, #tpu.memory_space<vmem>> -> memref<128x128xf32, #tpu.memory_space<vmem>>
        %parallel_loop3A_423 = arith.index_cast %parallel_loop3A_392 : i32 to index
        %parallel_loop3A_424 = arith.constant 32 : index
        %parallel_loop3A_425 = tpu.vector_load %parallel_loop3A_422[%parallel_loop3A_423, %parallel_loop3A_424] {strides = array<i32>} : memref<128x128xf32, #tpu.memory_space<vmem>>, vector<1x16xf32>,
        %parallel_loop3A_426 = vector.shape_cast %parallel_loop3A_425 : vector<1x16xf32> to vector<16xf32>
        %parallel_loop3A_427 = arith.addf %parallel_loop3A_395, %parallel_loop3A_426 : vector<16xf32>
        %parallel_loop3A_428 = arith.constant 0 : i32
        %parallel_loop3A_429 = arith.constant 0 : i32
        %parallel_loop3A_430 = tpu.memref_slice %arg6[%parallel_loop3A_275, %parallel_loop3A_428, %parallel_loop3A_429] : memref<4x128x128xf32, #tpu.memory_space<vmem>> -> memref<1x128x128xf32, #tpu.memory_space<vmem>>
        %parallel_loop3A_431 = tpu.memref_squeeze %parallel_loop3A_430 : memref<1x128x128xf32, #tpu.memory_space<vmem>> -> memref<128x128xf32, #tpu.memory_space<vmem>>
        %parallel_loop3A_432 = arith.index_cast %parallel_loop3A_392 : i32 to index
        %parallel_loop3A_433 = arith.constant 48 : index
        %parallel_loop3A_434 = tpu.vector_load %parallel_loop3A_431[%parallel_loop3A_432, %parallel_loop3A_433] {strides = array<i32>} : memref<128x128xf32, #tpu.memory_space<vmem>>, vector<1x16xf32>,
        %parallel_loop3A_435 = vector.shape_cast %parallel_loop3A_434 : vector<1x16xf32> to vector<16xf32>
        %parallel_loop3A_436 = arith.addf %parallel_loop3A_396, %parallel_loop3A_435 : vector<16xf32>
        %parallel_loop3A_437 = arith.constant 0 : i32
        %parallel_loop3A_438 = arith.constant 0 : i32
        %parallel_loop3A_439 = tpu.memref_slice %arg6[%parallel_loop3A_275, %parallel_loop3A_437, %parallel_loop3A_438] : memref<4x128x128xf32, #tpu.memory_space<vmem>> -> memref<1x128x128xf32, #tpu.memory_space<vmem>>
        %parallel_loop3A_440 = tpu.memref_squeeze %parallel_loop3A_439 : memref<1x128x128xf32, #tpu.memory_space<vmem>> -> memref<128x128xf32, #tpu.memory_space<vmem>>
        %parallel_loop3A_441 = arith.index_cast %parallel_loop3A_392 : i32 to index
        %parallel_loop3A_442 = arith.constant 64 : index
        %parallel_loop3A_443 = tpu.vector_load %parallel_loop3A_440[%parallel_loop3A_441, %parallel_loop3A_442] {strides = array<i32>} : memref<128x128xf32, #tpu.memory_space<vmem>>, vector<1x16xf32>,
        %parallel_loop3A_444 = vector.shape_cast %parallel_loop3A_443 : vector<1x16xf32> to vector<16xf32>
        %parallel_loop3A_445 = arith.addf %parallel_loop3A_397, %parallel_loop3A_444 : vector<16xf32>
        %parallel_loop3A_446 = arith.constant 0 : i32
        %parallel_loop3A_447 = arith.constant 0 : i32
        %parallel_loop3A_448 = tpu.memref_slice %arg6[%parallel_loop3A_275, %parallel_loop3A_446, %parallel_loop3A_447] : memref<4x128x128xf32, #tpu.memory_space<vmem>> -> memref<1x128x128xf32, #tpu.memory_space<vmem>>
        %parallel_loop3A_449 = tpu.memref_squeeze %parallel_loop3A_448 : memref<1x128x128xf32, #tpu.memory_space<vmem>> -> memref<128x128xf32, #tpu.memory_space<vmem>>
        %parallel_loop3A_450 = arith.index_cast %parallel_loop3A_392 : i32 to index
        %parallel_loop3A_451 = arith.constant 80 : index
        %parallel_loop3A_452 = tpu.vector_load %parallel_loop3A_449[%parallel_loop3A_450, %parallel_loop3A_451] {strides = array<i32>} : memref<128x128xf32, #tpu.memory_space<vmem>>, vector<1x16xf32>,
        %parallel_loop3A_453 = vector.shape_cast %parallel_loop3A_452 : vector<1x16xf32> to vector<16xf32>
        %parallel_loop3A_454 = arith.addf %parallel_loop3A_398, %parallel_loop3A_453 : vector<16xf32>
        %parallel_loop3A_455 = arith.constant 0 : i32
        %parallel_loop3A_456 = arith.constant 0 : i32
        %parallel_loop3A_457 = tpu.memref_slice %arg6[%parallel_loop3A_275, %parallel_loop3A_455, %parallel_loop3A_456] : memref<4x128x128xf32, #tpu.memory_space<vmem>> -> memref<1x128x128xf32, #tpu.memory_space<vmem>>
        %parallel_loop3A_458 = tpu.memref_squeeze %parallel_loop3A_457 : memref<1x128x128xf32, #tpu.memory_space<vmem>> -> memref<128x128xf32, #tpu.memory_space<vmem>>
        %parallel_loop3A_459 = arith.index_cast %parallel_loop3A_392 : i32 to index
        %parallel_loop3A_460 = arith.constant 96 : index
        %parallel_loop3A_461 = tpu.vector_load %parallel_loop3A_458[%parallel_loop3A_459, %parallel_loop3A_460] {strides = array<i32>} : memref<128x128xf32, #tpu.memory_space<vmem>>, vector<1x16xf32>,
        %parallel_loop3A_462 = vector.shape_cast %parallel_loop3A_461 : vector<1x16xf32> to vector<16xf32>
        %parallel_loop3A_463 = arith.addf %parallel_loop3A_399, %parallel_loop3A_462 : vector<16xf32>
        %parallel_loop3A_464 = arith.constant 0 : i32
        %parallel_loop3A_465 = arith.constant 0 : i32
        %parallel_loop3A_466 = tpu.memref_slice %arg6[%parallel_loop3A_275, %parallel_loop3A_464, %parallel_loop3A_465] : memref<4x128x128xf32, #tpu.memory_space<vmem>> -> memref<1x128x128xf32, #tpu.memory_space<vmem>>
        %parallel_loop3A_467 = tpu.memref_squeeze %parallel_loop3A_466 : memref<1x128x128xf32, #tpu.memory_space<vmem>> -> memref<128x128xf32, #tpu.memory_space<vmem>>
        %parallel_loop3A_468 = arith.index_cast %parallel_loop3A_392 : i32 to index
        %parallel_loop3A_469 = arith.constant 112 : index
        %parallel_loop3A_470 = tpu.vector_load %parallel_loop3A_467[%parallel_loop3A_468, %parallel_loop3A_469] {strides = array<i32>} : memref<128x128xf32, #tpu.memory_space<vmem>>, vector<1x16xf32>,
        %parallel_loop3A_471 = vector.shape_cast %parallel_loop3A_470 : vector<1x16xf32> to vector<16xf32>
        %parallel_loop3A_472 = arith.addf %parallel_loop3A_400, %parallel_loop3A_471 : vector<16xf32>
        scf.yield %parallel_loop3A_409, %parallel_loop3A_418, %parallel_loop3A_427, %parallel_loop3A_436, %parallel_loop3A_445, %parallel_loop3A_454, %parallel_loop3A_463, %parallel_loop3A_472 : vector<16xf32>, vector<16xf32>, vector<16xf32>, vector<16xf32>, vector<16xf32>, vector<16xf32>, vector<16xf32>, vector<16xf32>
      } {sc.loop_unroll_factor = 4 : i64, sc.parallel_access}
      %add3A_277 = arith.constant 4 : i32
      %add3A_278 = arith.addi %add3A_252, %add3A_277 : i32
      %lt3A_279 = arith.cmpi slt, %add3A_278, %select_n3A_129 : i32
      %convert_element_type3A_280 = arith.extui %lt3A_279 : i1 to i32
      %cond3A_281 = arith.constant 0 : i32
      %cond3A_282 = arith.constant 0 : i32
      %cond3A_283 = arith.cmpi ne, %convert_element_type3A_280, %cond3A_282 : i32
      scf.if %cond3A_283 {
        %mul3A_392 = arith.constant 128 : i32
        %mul3A_393 = arith.muli %add3A_278, %mul3A_392 : i32
        %add3A_394 = arith.addi %mul3A_100, %mul3A_393 : i32
        %min3A_395 = arith.constant 32640 : i32
        %min3A_396 = arith.minsi %add3A_394, %min3A_395 : i32
        %dma_start3A = arith.constant 0 : i32
        %dma_start3A_397 = arith.constant 0 : i32
        %dma_start3A_398 = tpu.memref_slice %arg6[%cond3A_281, %dma_start3A, %dma_start3A_397] : memref<4x128x128xf32, #tpu.memory_space<vmem>> -> memref<1x128x128xf32, #tpu.memory_space<vmem>>
        %dma_start3A_399 = tpu.memref_squeeze %dma_start3A_398 : memref<1x128x128xf32, #tpu.memory_space<vmem>> -> memref<128x128xf32, #tpu.memory_space<vmem>>
        %dma_start3A_400 = arith.constant 0 : i32
        %dma_start3A_401 = tpu.memref_slice %arg2[%min3A_396, %dma_start3A_400] : memref<32768x128xf32, #tpu.memory_space<hbm>> -> memref<128x128xf32, #tpu.memory_space<hbm>>
        %dma_start3A_402 = arith.constant 0 : i32
        %dma_start3A_403 = arith.constant 0 : i32
        %dma_start3A_404 = tpu.memref_slice %arg6[%cond3A_281, %dma_start3A_402, %dma_start3A_403] : memref<4x128x128xf32, #tpu.memory_space<vmem>> -> memref<1x128x128xf32, #tpu.memory_space<vmem>>
        %dma_start3A_405 = tpu.memref_squeeze %dma_start3A_404 : memref<1x128x128xf32, #tpu.memory_space<vmem>> -> memref<128x128xf32, #tpu.memory_space<vmem>>
        %dma_start3A_406 = arith.constant 0 : i32
        %dma_start3A_407 = tpu.memref_slice %arg2[%min3A_396, %dma_start3A_406] : memref<32768x128xf32, #tpu.memory_space<hbm>> -> memref<128x128xf32, #tpu.memory_space<hbm>>
        tpu.enqueue_dma source(%dma_start3A_407 : memref<128x128xf32, #tpu.memory_space<hbm>>) target(%dma_start3A_405 : memref<128x128xf32, #tpu.memory_space<vmem>>) target_semaphore(%arg12 : memref<!tpu.dma_semaphore, #tpu.memory_space<semaphore_mem>>)
      } else {
      }
      %add3A_284 = arith.constant 1 : i32
      %add3A_285 = arith.addi %mul3A_250, %add3A_284 : i32
      %lt3A_286 = arith.cmpi slt, %add3A_285, %select_n3A_129 : i32
      %convert_element_type3A_287 = arith.extui %lt3A_286 : i1 to i32
      %cond3A_288 = arith.constant 1 : i32
      %cond3A_289 = arith.constant 0 : i32
      %cond3A_290 = arith.cmpi ne, %convert_element_type3A_287, %cond3A_289 : i32
      scf.if %cond3A_290 {
        %dma_wait3A = arith.constant 0 : i32
        %dma_wait3A_392 = arith.constant 0 : i32
        %dma_wait3A_393 = tpu.memref_slice %arg6[%cond3A_288, %dma_wait3A, %dma_wait3A_392] : memref<4x128x128xf32, #tpu.memory_space<vmem>> -> memref<1x128x128xf32, #tpu.memory_space<vmem>>
        %dma_wait3A_394 = tpu.memref_squeeze %dma_wait3A_393 : memref<1x128x128xf32, #tpu.memory_space<vmem>> -> memref<128x128xf32, #tpu.memory_space<vmem>>
        %dma_wait3A_395 = arith.constant 0 : i32
        %dma_wait3A_396 = arith.constant 0 : i32
        %dma_wait3A_397 = tpu.memref_slice %arg2[%dma_wait3A_395, %dma_wait3A_396] : memref<32768x128xf32, #tpu.memory_space<hbm>> -> memref<128x128xf32, #tpu.memory_space<hbm>>
        %dma_wait3A_398 = arith.constant 0 : i32
        %dma_wait3A_399 = arith.constant 0 : i32
        %dma_wait3A_400 = tpu.memref_slice %arg6[%cond3A_288, %dma_wait3A_398, %dma_wait3A_399] : memref<4x128x128xf32, #tpu.memory_space<vmem>> -> memref<1x128x128xf32, #tpu.memory_space<vmem>>
        %dma_wait3A_401 = tpu.memref_squeeze %dma_wait3A_400 : memref<1x128x128xf32, #tpu.memory_space<vmem>> -> memref<128x128xf32, #tpu.memory_space<vmem>>
        %dma_wait3A_402 = arith.constant 0 : i32
        %dma_wait3A_403 = arith.constant 0 : i32
        %dma_wait3A_404 = tpu.memref_slice %arg2[%dma_wait3A_402, %dma_wait3A_403] : memref<32768x128xf32, #tpu.memory_space<hbm>> -> memref<128x128xf32, #tpu.memory_space<hbm>>
        tpu.wait_dma2 semaphore(%arg13 : memref<!tpu.dma_semaphore, #tpu.memory_space<semaphore_mem>>) src(%dma_wait3A_404 : memref<128x128xf32, #tpu.memory_space<hbm>>) dst(%dma_wait3A_401 : memref<128x128xf32, #tpu.memory_space<vmem>>)
      } else {
      }
      %mul3A_291 = arith.constant 128 : i32
      %mul3A_292 = arith.muli %add3A_285, %mul3A_291 : i32
      %add3A_293 = arith.addi %mul3A_100, %mul3A_292 : i32
      %max3A_294 = arith.maxsi %add3A_68, %add3A_293 : i32
      %mul3A_295 = arith.constant 128 : i32
      %mul3A_296 = arith.muli %add3A_285, %mul3A_295 : i32
      %add3A_297 = arith.addi %mul3A_100, %mul3A_296 : i32
      %min3A_298 = arith.constant 32640 : i32
      %min3A_299 = arith.minsi %add3A_297, %min3A_298 : i32
      %sub3A_300 = arith.subi %max3A_294, %min3A_299 : i32
      %add3A_301 = arith.constant 128 : i32
      %add3A_302 = arith.addi %add3A_293, %add3A_301 : i32
      %min3A_303 = arith.minsi %add3A_74, %add3A_302 : i32
      %mul3A_304 = arith.constant 128 : i32
      %mul3A_305 = arith.muli %add3A_285, %mul3A_304 : i32
      %add3A_306 = arith.addi %mul3A_100, %mul3A_305 : i32
      %min3A_307 = arith.constant 32640 : i32
      %min3A_308 = arith.minsi %add3A_306, %min3A_307 : i32
      %sub3A_309 = arith.subi %min3A_303, %min3A_308 : i32
      %parallel_loop3A_310 = arith.constant 1 : i32
      %parallel_loop3A_311 = arith.constant 1 : i32
      %parallel_loop3A_312:8 = scf.for %parallel_loop3A_392 = %sub3A_300 to %sub3A_309 step %parallel_loop3A_310 iter_args(%parallel_loop3A_393 = %parallel_loop3A_276#0, %parallel_loop3A_394 = %parallel_loop3A_276#1, %parallel_loop3A_395 = %parallel_loop3A_276#2, %parallel_loop3A_396 = %parallel_loop3A_276#3, %parallel_loop3A_397 = %parallel_loop3A_276#4, %parallel_loop3A_398 = %parallel_loop3A_276#5, %parallel_loop3A_399 = %parallel_loop3A_276#6, %parallel_loop3A_400 = %parallel_loop3A_276#7) -> (vector<16xf32>, vector<16xf32>, vector<16xf32>, vector<16xf32>, vector<16xf32>, vector<16xf32>, vector<16xf32>, vector<16xf32>)  : i32 {
        %parallel_loop3A_401 = arith.constant 0 : i32
        %parallel_loop3A_402 = arith.constant 0 : i32
        %parallel_loop3A_403 = tpu.memref_slice %arg6[%parallel_loop3A_311, %parallel_loop3A_401, %parallel_loop3A_402] : memref<4x128x128xf32, #tpu.memory_space<vmem>> -> memref<1x128x128xf32, #tpu.memory_space<vmem>>
        %parallel_loop3A_404 = tpu.memref_squeeze %parallel_loop3A_403 : memref<1x128x128xf32, #tpu.memory_space<vmem>> -> memref<128x128xf32, #tpu.memory_space<vmem>>
        %parallel_loop3A_405 = arith.index_cast %parallel_loop3A_392 : i32 to index
        %parallel_loop3A_406 = arith.constant 0 : index
        %parallel_loop3A_407 = tpu.vector_load %parallel_loop3A_404[%parallel_loop3A_405, %parallel_loop3A_406] {strides = array<i32>} : memref<128x128xf32, #tpu.memory_space<vmem>>, vector<1x16xf32>,
        %parallel_loop3A_408 = vector.shape_cast %parallel_loop3A_407 : vector<1x16xf32> to vector<16xf32>
        %parallel_loop3A_409 = arith.addf %parallel_loop3A_393, %parallel_loop3A_408 : vector<16xf32>
        %parallel_loop3A_410 = arith.constant 0 : i32
        %parallel_loop3A_411 = arith.constant 0 : i32
        %parallel_loop3A_412 = tpu.memref_slice %arg6[%parallel_loop3A_311, %parallel_loop3A_410, %parallel_loop3A_411] : memref<4x128x128xf32, #tpu.memory_space<vmem>> -> memref<1x128x128xf32, #tpu.memory_space<vmem>>
        %parallel_loop3A_413 = tpu.memref_squeeze %parallel_loop3A_412 : memref<1x128x128xf32, #tpu.memory_space<vmem>> -> memref<128x128xf32, #tpu.memory_space<vmem>>
        %parallel_loop3A_414 = arith.index_cast %parallel_loop3A_392 : i32 to index
        %parallel_loop3A_415 = arith.constant 16 : index
        %parallel_loop3A_416 = tpu.vector_load %parallel_loop3A_413[%parallel_loop3A_414, %parallel_loop3A_415] {strides = array<i32>} : memref<128x128xf32, #tpu.memory_space<vmem>>, vector<1x16xf32>,
        %parallel_loop3A_417 = vector.shape_cast %parallel_loop3A_416 : vector<1x16xf32> to vector<16xf32>
        %parallel_loop3A_418 = arith.addf %parallel_loop3A_394, %parallel_loop3A_417 : vector<16xf32>
        %parallel_loop3A_419 = arith.constant 0 : i32
        %parallel_loop3A_420 = arith.constant 0 : i32
        %parallel_loop3A_421 = tpu.memref_slice %arg6[%parallel_loop3A_311, %parallel_loop3A_419, %parallel_loop3A_420] : memref<4x128x128xf32, #tpu.memory_space<vmem>> -> memref<1x128x128xf32, #tpu.memory_space<vmem>>
        %parallel_loop3A_422 = tpu.memref_squeeze %parallel_loop3A_421 : memref<1x128x128xf32, #tpu.memory_space<vmem>> -> memref<128x128xf32, #tpu.memory_space<vmem>>
        %parallel_loop3A_423 = arith.index_cast %parallel_loop3A_392 : i32 to index
        %parallel_loop3A_424 = arith.constant 32 : index
        %parallel_loop3A_425 = tpu.vector_load %parallel_loop3A_422[%parallel_loop3A_423, %parallel_loop3A_424] {strides = array<i32>} : memref<128x128xf32, #tpu.memory_space<vmem>>, vector<1x16xf32>,
        %parallel_loop3A_426 = vector.shape_cast %parallel_loop3A_425 : vector<1x16xf32> to vector<16xf32>
        %parallel_loop3A_427 = arith.addf %parallel_loop3A_395, %parallel_loop3A_426 : vector<16xf32>
        %parallel_loop3A_428 = arith.constant 0 : i32
        %parallel_loop3A_429 = arith.constant 0 : i32
        %parallel_loop3A_430 = tpu.memref_slice %arg6[%parallel_loop3A_311, %parallel_loop3A_428, %parallel_loop3A_429] : memref<4x128x128xf32, #tpu.memory_space<vmem>> -> memref<1x128x128xf32, #tpu.memory_space<vmem>>
        %parallel_loop3A_431 = tpu.memref_squeeze %parallel_loop3A_430 : memref<1x128x128xf32, #tpu.memory_space<vmem>> -> memref<128x128xf32, #tpu.memory_space<vmem>>
        %parallel_loop3A_432 = arith.index_cast %parallel_loop3A_392 : i32 to index
        %parallel_loop3A_433 = arith.constant 48 : index
        %parallel_loop3A_434 = tpu.vector_load %parallel_loop3A_431[%parallel_loop3A_432, %parallel_loop3A_433] {strides = array<i32>} : memref<128x128xf32, #tpu.memory_space<vmem>>, vector<1x16xf32>,
        %parallel_loop3A_435 = vector.shape_cast %parallel_loop3A_434 : vector<1x16xf32> to vector<16xf32>
        %parallel_loop3A_436 = arith.addf %parallel_loop3A_396, %parallel_loop3A_435 : vector<16xf32>
        %parallel_loop3A_437 = arith.constant 0 : i32
        %parallel_loop3A_438 = arith.constant 0 : i32
        %parallel_loop3A_439 = tpu.memref_slice %arg6[%parallel_loop3A_311, %parallel_loop3A_437, %parallel_loop3A_438] : memref<4x128x128xf32, #tpu.memory_space<vmem>> -> memref<1x128x128xf32, #tpu.memory_space<vmem>>
        %parallel_loop3A_440 = tpu.memref_squeeze %parallel_loop3A_439 : memref<1x128x128xf32, #tpu.memory_space<vmem>> -> memref<128x128xf32, #tpu.memory_space<vmem>>
        %parallel_loop3A_441 = arith.index_cast %parallel_loop3A_392 : i32 to index
        %parallel_loop3A_442 = arith.constant 64 : index
        %parallel_loop3A_443 = tpu.vector_load %parallel_loop3A_440[%parallel_loop3A_441, %parallel_loop3A_442] {strides = array<i32>} : memref<128x128xf32, #tpu.memory_space<vmem>>, vector<1x16xf32>,
        %parallel_loop3A_444 = vector.shape_cast %parallel_loop3A_443 : vector<1x16xf32> to vector<16xf32>
        %parallel_loop3A_445 = arith.addf %parallel_loop3A_397, %parallel_loop3A_444 : vector<16xf32>
        %parallel_loop3A_446 = arith.constant 0 : i32
        %parallel_loop3A_447 = arith.constant 0 : i32
        %parallel_loop3A_448 = tpu.memref_slice %arg6[%parallel_loop3A_311, %parallel_loop3A_446, %parallel_loop3A_447] : memref<4x128x128xf32, #tpu.memory_space<vmem>> -> memref<1x128x128xf32, #tpu.memory_space<vmem>>
        %parallel_loop3A_449 = tpu.memref_squeeze %parallel_loop3A_448 : memref<1x128x128xf32, #tpu.memory_space<vmem>> -> memref<128x128xf32, #tpu.memory_space<vmem>>
        %parallel_loop3A_450 = arith.index_cast %parallel_loop3A_392 : i32 to index
        %parallel_loop3A_451 = arith.constant 80 : index
        %parallel_loop3A_452 = tpu.vector_load %parallel_loop3A_449[%parallel_loop3A_450, %parallel_loop3A_451] {strides = array<i32>} : memref<128x128xf32, #tpu.memory_space<vmem>>, vector<1x16xf32>,
        %parallel_loop3A_453 = vector.shape_cast %parallel_loop3A_452 : vector<1x16xf32> to vector<16xf32>
        %parallel_loop3A_454 = arith.addf %parallel_loop3A_398, %parallel_loop3A_453 : vector<16xf32>
        %parallel_loop3A_455 = arith.constant 0 : i32
        %parallel_loop3A_456 = arith.constant 0 : i32
        %parallel_loop3A_457 = tpu.memref_slice %arg6[%parallel_loop3A_311, %parallel_loop3A_455, %parallel_loop3A_456] : memref<4x128x128xf32, #tpu.memory_space<vmem>> -> memref<1x128x128xf32, #tpu.memory_space<vmem>>
        %parallel_loop3A_458 = tpu.memref_squeeze %parallel_loop3A_457 : memref<1x128x128xf32, #tpu.memory_space<vmem>> -> memref<128x128xf32, #tpu.memory_space<vmem>>
        %parallel_loop3A_459 = arith.index_cast %parallel_loop3A_392 : i32 to index
        %parallel_loop3A_460 = arith.constant 96 : index
        %parallel_loop3A_461 = tpu.vector_load %parallel_loop3A_458[%parallel_loop3A_459, %parallel_loop3A_460] {strides = array<i32>} : memref<128x128xf32, #tpu.memory_space<vmem>>, vector<1x16xf32>,
        %parallel_loop3A_462 = vector.shape_cast %parallel_loop3A_461 : vector<1x16xf32> to vector<16xf32>
        %parallel_loop3A_463 = arith.addf %parallel_loop3A_399, %parallel_loop3A_462 : vector<16xf32>
        %parallel_loop3A_464 = arith.constant 0 : i32
        %parallel_loop3A_465 = arith.constant 0 : i32
        %parallel_loop3A_466 = tpu.memref_slice %arg6[%parallel_loop3A_311, %parallel_loop3A_464, %parallel_loop3A_465] : memref<4x128x128xf32, #tpu.memory_space<vmem>> -> memref<1x128x128xf32, #tpu.memory_space<vmem>>
        %parallel_loop3A_467 = tpu.memref_squeeze %parallel_loop3A_466 : memref<1x128x128xf32, #tpu.memory_space<vmem>> -> memref<128x128xf32, #tpu.memory_space<vmem>>
        %parallel_loop3A_468 = arith.index_cast %parallel_loop3A_392 : i32 to index
        %parallel_loop3A_469 = arith.constant 112 : index
        %parallel_loop3A_470 = tpu.vector_load %parallel_loop3A_467[%parallel_loop3A_468, %parallel_loop3A_469] {strides = array<i32>} : memref<128x128xf32, #tpu.memory_space<vmem>>, vector<1x16xf32>,
        %parallel_loop3A_471 = vector.shape_cast %parallel_loop3A_470 : vector<1x16xf32> to vector<16xf32>
        %parallel_loop3A_472 = arith.addf %parallel_loop3A_400, %parallel_loop3A_471 : vector<16xf32>
        scf.yield %parallel_loop3A_409, %parallel_loop3A_418, %parallel_loop3A_427, %parallel_loop3A_436, %parallel_loop3A_445, %parallel_loop3A_454, %parallel_loop3A_463, %parallel_loop3A_472 : vector<16xf32>, vector<16xf32>, vector<16xf32>, vector<16xf32>, vector<16xf32>, vector<16xf32>, vector<16xf32>, vector<16xf32>
      } {sc.loop_unroll_factor = 4 : i64, sc.parallel_access}
      %add3A_313 = arith.constant 4 : i32
      %add3A_314 = arith.addi %add3A_285, %add3A_313 : i32
      %lt3A_315 = arith.cmpi slt, %add3A_314, %select_n3A_129 : i32
      %convert_element_type3A_316 = arith.extui %lt3A_315 : i1 to i32
      %cond3A_317 = arith.constant 1 : i32
      %cond3A_318 = arith.constant 0 : i32
      %cond3A_319 = arith.cmpi ne, %convert_element_type3A_316, %cond3A_318 : i32
      scf.if %cond3A_319 {
        %mul3A_392 = arith.constant 128 : i32
        %mul3A_393 = arith.muli %add3A_314, %mul3A_392 : i32
        %add3A_394 = arith.addi %mul3A_100, %mul3A_393 : i32
        %min3A_395 = arith.constant 32640 : i32
        %min3A_396 = arith.minsi %add3A_394, %min3A_395 : i32
        %dma_start3A = arith.constant 0 : i32
        %dma_start3A_397 = arith.constant 0 : i32
        %dma_start3A_398 = tpu.memref_slice %arg6[%cond3A_317, %dma_start3A, %dma_start3A_397] : memref<4x128x128xf32, #tpu.memory_space<vmem>> -> memref<1x128x128xf32, #tpu.memory_space<vmem>>
        %dma_start3A_399 = tpu.memref_squeeze %dma_start3A_398 : memref<1x128x128xf32, #tpu.memory_space<vmem>> -> memref<128x128xf32, #tpu.memory_space<vmem>>
        %dma_start3A_400 = arith.constant 0 : i32
        %dma_start3A_401 = tpu.memref_slice %arg2[%min3A_396, %dma_start3A_400] : memref<32768x128xf32, #tpu.memory_space<hbm>> -> memref<128x128xf32, #tpu.memory_space<hbm>>
        %dma_start3A_402 = arith.constant 0 : i32
        %dma_start3A_403 = arith.constant 0 : i32
        %dma_start3A_404 = tpu.memref_slice %arg6[%cond3A_317, %dma_start3A_402, %dma_start3A_403] : memref<4x128x128xf32, #tpu.memory_space<vmem>> -> memref<1x128x128xf32, #tpu.memory_space<vmem>>
        %dma_start3A_405 = tpu.memref_squeeze %dma_start3A_404 : memref<1x128x128xf32, #tpu.memory_space<vmem>> -> memref<128x128xf32, #tpu.memory_space<vmem>>
        %dma_start3A_406 = arith.constant 0 : i32
        %dma_start3A_407 = tpu.memref_slice %arg2[%min3A_396, %dma_start3A_406] : memref<32768x128xf32, #tpu.memory_space<hbm>> -> memref<128x128xf32, #tpu.memory_space<hbm>>
        tpu.enqueue_dma source(%dma_start3A_407 : memref<128x128xf32, #tpu.memory_space<hbm>>) target(%dma_start3A_405 : memref<128x128xf32, #tpu.memory_space<vmem>>) target_semaphore(%arg13 : memref<!tpu.dma_semaphore, #tpu.memory_space<semaphore_mem>>)
      } else {
      }
      %add3A_320 = arith.constant 2 : i32
      %add3A_321 = arith.addi %mul3A_250, %add3A_320 : i32
      %lt3A_322 = arith.cmpi slt, %add3A_321, %select_n3A_129 : i32
      %convert_element_type3A_323 = arith.extui %lt3A_322 : i1 to i32
      %cond3A_324 = arith.constant 2 : i32
      %cond3A_325 = arith.constant 0 : i32
      %cond3A_326 = arith.cmpi ne, %convert_element_type3A_323, %cond3A_325 : i32
      scf.if %cond3A_326 {
        %dma_wait3A = arith.constant 0 : i32
        %dma_wait3A_392 = arith.constant 0 : i32
        %dma_wait3A_393 = tpu.memref_slice %arg6[%cond3A_324, %dma_wait3A, %dma_wait3A_392] : memref<4x128x128xf32, #tpu.memory_space<vmem>> -> memref<1x128x128xf32, #tpu.memory_space<vmem>>
        %dma_wait3A_394 = tpu.memref_squeeze %dma_wait3A_393 : memref<1x128x128xf32, #tpu.memory_space<vmem>> -> memref<128x128xf32, #tpu.memory_space<vmem>>
        %dma_wait3A_395 = arith.constant 0 : i32
        %dma_wait3A_396 = arith.constant 0 : i32
        %dma_wait3A_397 = tpu.memref_slice %arg2[%dma_wait3A_395, %dma_wait3A_396] : memref<32768x128xf32, #tpu.memory_space<hbm>> -> memref<128x128xf32, #tpu.memory_space<hbm>>
        %dma_wait3A_398 = arith.constant 0 : i32
        %dma_wait3A_399 = arith.constant 0 : i32
        %dma_wait3A_400 = tpu.memref_slice %arg6[%cond3A_324, %dma_wait3A_398, %dma_wait3A_399] : memref<4x128x128xf32, #tpu.memory_space<vmem>> -> memref<1x128x128xf32, #tpu.memory_space<vmem>>
        %dma_wait3A_401 = tpu.memref_squeeze %dma_wait3A_400 : memref<1x128x128xf32, #tpu.memory_space<vmem>> -> memref<128x128xf32, #tpu.memory_space<vmem>>
        %dma_wait3A_402 = arith.constant 0 : i32
        %dma_wait3A_403 = arith.constant 0 : i32
        %dma_wait3A_404 = tpu.memref_slice %arg2[%dma_wait3A_402, %dma_wait3A_403] : memref<32768x128xf32, #tpu.memory_space<hbm>> -> memref<128x128xf32, #tpu.memory_space<hbm>>
        tpu.wait_dma2 semaphore(%arg14 : memref<!tpu.dma_semaphore, #tpu.memory_space<semaphore_mem>>) src(%dma_wait3A_404 : memref<128x128xf32, #tpu.memory_space<hbm>>) dst(%dma_wait3A_401 : memref<128x128xf32, #tpu.memory_space<vmem>>)
      } else {
      }
      %mul3A_327 = arith.constant 128 : i32
      %mul3A_328 = arith.muli %add3A_321, %mul3A_327 : i32
      %add3A_329 = arith.addi %mul3A_100, %mul3A_328 : i32
      %max3A_330 = arith.maxsi %add3A_68, %add3A_329 : i32
      %mul3A_331 = arith.constant 128 : i32
      %mul3A_332 = arith.muli %add3A_321, %mul3A_331 : i32
      %add3A_333 = arith.addi %mul3A_100, %mul3A_332 : i32
      %min3A_334 = arith.constant 32640 : i32
      %min3A_335 = arith.minsi %add3A_333, %min3A_334 : i32
      %sub3A_336 = arith.subi %max3A_330, %min3A_335 : i32
      %add3A_337 = arith.constant 128 : i32
      %add3A_338 = arith.addi %add3A_329, %add3A_337 : i32
      %min3A_339 = arith.minsi %add3A_74, %add3A_338 : i32
      %mul3A_340 = arith.constant 128 : i32
      %mul3A_341 = arith.muli %add3A_321, %mul3A_340 : i32
      %add3A_342 = arith.addi %mul3A_100, %mul3A_341 : i32
      %min3A_343 = arith.constant 32640 : i32
      %min3A_344 = arith.minsi %add3A_342, %min3A_343 : i32
      %sub3A_345 = arith.subi %min3A_339, %min3A_344 : i32
      %parallel_loop3A_346 = arith.constant 1 : i32
      %parallel_loop3A_347 = arith.constant 2 : i32
      %parallel_loop3A_348:8 = scf.for %parallel_loop3A_392 = %sub3A_336 to %sub3A_345 step %parallel_loop3A_346 iter_args(%parallel_loop3A_393 = %parallel_loop3A_312#0, %parallel_loop3A_394 = %parallel_loop3A_312#1, %parallel_loop3A_395 = %parallel_loop3A_312#2, %parallel_loop3A_396 = %parallel_loop3A_312#3, %parallel_loop3A_397 = %parallel_loop3A_312#4, %parallel_loop3A_398 = %parallel_loop3A_312#5, %parallel_loop3A_399 = %parallel_loop3A_312#6, %parallel_loop3A_400 = %parallel_loop3A_312#7) -> (vector<16xf32>, vector<16xf32>, vector<16xf32>, vector<16xf32>, vector<16xf32>, vector<16xf32>, vector<16xf32>, vector<16xf32>)  : i32 {
        %parallel_loop3A_401 = arith.constant 0 : i32
        %parallel_loop3A_402 = arith.constant 0 : i32
        %parallel_loop3A_403 = tpu.memref_slice %arg6[%parallel_loop3A_347, %parallel_loop3A_401, %parallel_loop3A_402] : memref<4x128x128xf32, #tpu.memory_space<vmem>> -> memref<1x128x128xf32, #tpu.memory_space<vmem>>
        %parallel_loop3A_404 = tpu.memref_squeeze %parallel_loop3A_403 : memref<1x128x128xf32, #tpu.memory_space<vmem>> -> memref<128x128xf32, #tpu.memory_space<vmem>>
        %parallel_loop3A_405 = arith.index_cast %parallel_loop3A_392 : i32 to index
        %parallel_loop3A_406 = arith.constant 0 : index
        %parallel_loop3A_407 = tpu.vector_load %parallel_loop3A_404[%parallel_loop3A_405, %parallel_loop3A_406] {strides = array<i32>} : memref<128x128xf32, #tpu.memory_space<vmem>>, vector<1x16xf32>,
        %parallel_loop3A_408 = vector.shape_cast %parallel_loop3A_407 : vector<1x16xf32> to vector<16xf32>
        %parallel_loop3A_409 = arith.addf %parallel_loop3A_393, %parallel_loop3A_408 : vector<16xf32>
        %parallel_loop3A_410 = arith.constant 0 : i32
        %parallel_loop3A_411 = arith.constant 0 : i32
        %parallel_loop3A_412 = tpu.memref_slice %arg6[%parallel_loop3A_347, %parallel_loop3A_410, %parallel_loop3A_411] : memref<4x128x128xf32, #tpu.memory_space<vmem>> -> memref<1x128x128xf32, #tpu.memory_space<vmem>>
        %parallel_loop3A_413 = tpu.memref_squeeze %parallel_loop3A_412 : memref<1x128x128xf32, #tpu.memory_space<vmem>> -> memref<128x128xf32, #tpu.memory_space<vmem>>
        %parallel_loop3A_414 = arith.index_cast %parallel_loop3A_392 : i32 to index
        %parallel_loop3A_415 = arith.constant 16 : index
        %parallel_loop3A_416 = tpu.vector_load %parallel_loop3A_413[%parallel_loop3A_414, %parallel_loop3A_415] {strides = array<i32>} : memref<128x128xf32, #tpu.memory_space<vmem>>, vector<1x16xf32>,
        %parallel_loop3A_417 = vector.shape_cast %parallel_loop3A_416 : vector<1x16xf32> to vector<16xf32>
        %parallel_loop3A_418 = arith.addf %parallel_loop3A_394, %parallel_loop3A_417 : vector<16xf32>
        %parallel_loop3A_419 = arith.constant 0 : i32
        %parallel_loop3A_420 = arith.constant 0 : i32
        %parallel_loop3A_421 = tpu.memref_slice %arg6[%parallel_loop3A_347, %parallel_loop3A_419, %parallel_loop3A_420] : memref<4x128x128xf32, #tpu.memory_space<vmem>> -> memref<1x128x128xf32, #tpu.memory_space<vmem>>
        %parallel_loop3A_422 = tpu.memref_squeeze %parallel_loop3A_421 : memref<1x128x128xf32, #tpu.memory_space<vmem>> -> memref<128x128xf32, #tpu.memory_space<vmem>>
        %parallel_loop3A_423 = arith.index_cast %parallel_loop3A_392 : i32 to index
        %parallel_loop3A_424 = arith.constant 32 : index
        %parallel_loop3A_425 = tpu.vector_load %parallel_loop3A_422[%parallel_loop3A_423, %parallel_loop3A_424] {strides = array<i32>} : memref<128x128xf32, #tpu.memory_space<vmem>>, vector<1x16xf32>,
        %parallel_loop3A_426 = vector.shape_cast %parallel_loop3A_425 : vector<1x16xf32> to vector<16xf32>
        %parallel_loop3A_427 = arith.addf %parallel_loop3A_395, %parallel_loop3A_426 : vector<16xf32>
        %parallel_loop3A_428 = arith.constant 0 : i32
        %parallel_loop3A_429 = arith.constant 0 : i32
        %parallel_loop3A_430 = tpu.memref_slice %arg6[%parallel_loop3A_347, %parallel_loop3A_428, %parallel_loop3A_429] : memref<4x128x128xf32, #tpu.memory_space<vmem>> -> memref<1x128x128xf32, #tpu.memory_space<vmem>>
        %parallel_loop3A_431 = tpu.memref_squeeze %parallel_loop3A_430 : memref<1x128x128xf32, #tpu.memory_space<vmem>> -> memref<128x128xf32, #tpu.memory_space<vmem>>
        %parallel_loop3A_432 = arith.index_cast %parallel_loop3A_392 : i32 to index
        %parallel_loop3A_433 = arith.constant 48 : index
        %parallel_loop3A_434 = tpu.vector_load %parallel_loop3A_431[%parallel_loop3A_432, %parallel_loop3A_433] {strides = array<i32>} : memref<128x128xf32, #tpu.memory_space<vmem>>, vector<1x16xf32>,
        %parallel_loop3A_435 = vector.shape_cast %parallel_loop3A_434 : vector<1x16xf32> to vector<16xf32>
        %parallel_loop3A_436 = arith.addf %parallel_loop3A_396, %parallel_loop3A_435 : vector<16xf32>
        %parallel_loop3A_437 = arith.constant 0 : i32
        %parallel_loop3A_438 = arith.constant 0 : i32
        %parallel_loop3A_439 = tpu.memref_slice %arg6[%parallel_loop3A_347, %parallel_loop3A_437, %parallel_loop3A_438] : memref<4x128x128xf32, #tpu.memory_space<vmem>> -> memref<1x128x128xf32, #tpu.memory_space<vmem>>
        %parallel_loop3A_440 = tpu.memref_squeeze %parallel_loop3A_439 : memref<1x128x128xf32, #tpu.memory_space<vmem>> -> memref<128x128xf32, #tpu.memory_space<vmem>>
        %parallel_loop3A_441 = arith.index_cast %parallel_loop3A_392 : i32 to index
        %parallel_loop3A_442 = arith.constant 64 : index
        %parallel_loop3A_443 = tpu.vector_load %parallel_loop3A_440[%parallel_loop3A_441, %parallel_loop3A_442] {strides = array<i32>} : memref<128x128xf32, #tpu.memory_space<vmem>>, vector<1x16xf32>,
        %parallel_loop3A_444 = vector.shape_cast %parallel_loop3A_443 : vector<1x16xf32> to vector<16xf32>
        %parallel_loop3A_445 = arith.addf %parallel_loop3A_397, %parallel_loop3A_444 : vector<16xf32>
        %parallel_loop3A_446 = arith.constant 0 : i32
        %parallel_loop3A_447 = arith.constant 0 : i32
        %parallel_loop3A_448 = tpu.memref_slice %arg6[%parallel_loop3A_347, %parallel_loop3A_446, %parallel_loop3A_447] : memref<4x128x128xf32, #tpu.memory_space<vmem>> -> memref<1x128x128xf32, #tpu.memory_space<vmem>>
        %parallel_loop3A_449 = tpu.memref_squeeze %parallel_loop3A_448 : memref<1x128x128xf32, #tpu.memory_space<vmem>> -> memref<128x128xf32, #tpu.memory_space<vmem>>
        %parallel_loop3A_450 = arith.index_cast %parallel_loop3A_392 : i32 to index
        %parallel_loop3A_451 = arith.constant 80 : index
        %parallel_loop3A_452 = tpu.vector_load %parallel_loop3A_449[%parallel_loop3A_450, %parallel_loop3A_451] {strides = array<i32>} : memref<128x128xf32, #tpu.memory_space<vmem>>, vector<1x16xf32>,
        %parallel_loop3A_453 = vector.shape_cast %parallel_loop3A_452 : vector<1x16xf32> to vector<16xf32>
        %parallel_loop3A_454 = arith.addf %parallel_loop3A_398, %parallel_loop3A_453 : vector<16xf32>
        %parallel_loop3A_455 = arith.constant 0 : i32
        %parallel_loop3A_456 = arith.constant 0 : i32
        %parallel_loop3A_457 = tpu.memref_slice %arg6[%parallel_loop3A_347, %parallel_loop3A_455, %parallel_loop3A_456] : memref<4x128x128xf32, #tpu.memory_space<vmem>> -> memref<1x128x128xf32, #tpu.memory_space<vmem>>
        %parallel_loop3A_458 = tpu.memref_squeeze %parallel_loop3A_457 : memref<1x128x128xf32, #tpu.memory_space<vmem>> -> memref<128x128xf32, #tpu.memory_space<vmem>>
        %parallel_loop3A_459 = arith.index_cast %parallel_loop3A_392 : i32 to index
        %parallel_loop3A_460 = arith.constant 96 : index
        %parallel_loop3A_461 = tpu.vector_load %parallel_loop3A_458[%parallel_loop3A_459, %parallel_loop3A_460] {strides = array<i32>} : memref<128x128xf32, #tpu.memory_space<vmem>>, vector<1x16xf32>,
        %parallel_loop3A_462 = vector.shape_cast %parallel_loop3A_461 : vector<1x16xf32> to vector<16xf32>
        %parallel_loop3A_463 = arith.addf %parallel_loop3A_399, %parallel_loop3A_462 : vector<16xf32>
        %parallel_loop3A_464 = arith.constant 0 : i32
        %parallel_loop3A_465 = arith.constant 0 : i32
        %parallel_loop3A_466 = tpu.memref_slice %arg6[%parallel_loop3A_347, %parallel_loop3A_464, %parallel_loop3A_465] : memref<4x128x128xf32, #tpu.memory_space<vmem>> -> memref<1x128x128xf32, #tpu.memory_space<vmem>>
        %parallel_loop3A_467 = tpu.memref_squeeze %parallel_loop3A_466 : memref<1x128x128xf32, #tpu.memory_space<vmem>> -> memref<128x128xf32, #tpu.memory_space<vmem>>
        %parallel_loop3A_468 = arith.index_cast %parallel_loop3A_392 : i32 to index
        %parallel_loop3A_469 = arith.constant 112 : index
        %parallel_loop3A_470 = tpu.vector_load %parallel_loop3A_467[%parallel_loop3A_468, %parallel_loop3A_469] {strides = array<i32>} : memref<128x128xf32, #tpu.memory_space<vmem>>, vector<1x16xf32>,
        %parallel_loop3A_471 = vector.shape_cast %parallel_loop3A_470 : vector<1x16xf32> to vector<16xf32>
        %parallel_loop3A_472 = arith.addf %parallel_loop3A_400, %parallel_loop3A_471 : vector<16xf32>
        scf.yield %parallel_loop3A_409, %parallel_loop3A_418, %parallel_loop3A_427, %parallel_loop3A_436, %parallel_loop3A_445, %parallel_loop3A_454, %parallel_loop3A_463, %parallel_loop3A_472 : vector<16xf32>, vector<16xf32>, vector<16xf32>, vector<16xf32>, vector<16xf32>, vector<16xf32>, vector<16xf32>, vector<16xf32>
      } {sc.loop_unroll_factor = 4 : i64, sc.parallel_access}
      %add3A_349 = arith.constant 4 : i32
      %add3A_350 = arith.addi %add3A_321, %add3A_349 : i32
      %lt3A_351 = arith.cmpi slt, %add3A_350, %select_n3A_129 : i32
      %convert_element_type3A_352 = arith.extui %lt3A_351 : i1 to i32
      %cond3A_353 = arith.constant 2 : i32
      %cond3A_354 = arith.constant 0 : i32
      %cond3A_355 = arith.cmpi ne, %convert_element_type3A_352, %cond3A_354 : i32
      scf.if %cond3A_355 {
        %mul3A_392 = arith.constant 128 : i32
        %mul3A_393 = arith.muli %add3A_350, %mul3A_392 : i32
        %add3A_394 = arith.addi %mul3A_100, %mul3A_393 : i32
        %min3A_395 = arith.constant 32640 : i32
        %min3A_396 = arith.minsi %add3A_394, %min3A_395 : i32
        %dma_start3A = arith.constant 0 : i32
        %dma_start3A_397 = arith.constant 0 : i32
        %dma_start3A_398 = tpu.memref_slice %arg6[%cond3A_353, %dma_start3A, %dma_start3A_397] : memref<4x128x128xf32, #tpu.memory_space<vmem>> -> memref<1x128x128xf32, #tpu.memory_space<vmem>>
        %dma_start3A_399 = tpu.memref_squeeze %dma_start3A_398 : memref<1x128x128xf32, #tpu.memory_space<vmem>> -> memref<128x128xf32, #tpu.memory_space<vmem>>
        %dma_start3A_400 = arith.constant 0 : i32
        %dma_start3A_401 = tpu.memref_slice %arg2[%min3A_396, %dma_start3A_400] : memref<32768x128xf32, #tpu.memory_space<hbm>> -> memref<128x128xf32, #tpu.memory_space<hbm>>
        %dma_start3A_402 = arith.constant 0 : i32
        %dma_start3A_403 = arith.constant 0 : i32
        %dma_start3A_404 = tpu.memref_slice %arg6[%cond3A_353, %dma_start3A_402, %dma_start3A_403] : memref<4x128x128xf32, #tpu.memory_space<vmem>> -> memref<1x128x128xf32, #tpu.memory_space<vmem>>
        %dma_start3A_405 = tpu.memref_squeeze %dma_start3A_404 : memref<1x128x128xf32, #tpu.memory_space<vmem>> -> memref<128x128xf32, #tpu.memory_space<vmem>>
        %dma_start3A_406 = arith.constant 0 : i32
        %dma_start3A_407 = tpu.memref_slice %arg2[%min3A_396, %dma_start3A_406] : memref<32768x128xf32, #tpu.memory_space<hbm>> -> memref<128x128xf32, #tpu.memory_space<hbm>>
        tpu.enqueue_dma source(%dma_start3A_407 : memref<128x128xf32, #tpu.memory_space<hbm>>) target(%dma_start3A_405 : memref<128x128xf32, #tpu.memory_space<vmem>>) target_semaphore(%arg14 : memref<!tpu.dma_semaphore, #tpu.memory_space<semaphore_mem>>)
      } else {
      }
      %add3A_356 = arith.constant 3 : i32
      %add3A_357 = arith.addi %mul3A_250, %add3A_356 : i32
      %lt3A_358 = arith.cmpi slt, %add3A_357, %select_n3A_129 : i32
      %convert_element_type3A_359 = arith.extui %lt3A_358 : i1 to i32
      %cond3A_360 = arith.constant 3 : i32
      %cond3A_361 = arith.constant 0 : i32
      %cond3A_362 = arith.cmpi ne, %convert_element_type3A_359, %cond3A_361 : i32
      scf.if %cond3A_362 {
        %dma_wait3A = arith.constant 0 : i32
        %dma_wait3A_392 = arith.constant 0 : i32
        %dma_wait3A_393 = tpu.memref_slice %arg6[%cond3A_360, %dma_wait3A, %dma_wait3A_392] : memref<4x128x128xf32, #tpu.memory_space<vmem>> -> memref<1x128x128xf32, #tpu.memory_space<vmem>>
        %dma_wait3A_394 = tpu.memref_squeeze %dma_wait3A_393 : memref<1x128x128xf32, #tpu.memory_space<vmem>> -> memref<128x128xf32, #tpu.memory_space<vmem>>
        %dma_wait3A_395 = arith.constant 0 : i32
        %dma_wait3A_396 = arith.constant 0 : i32
        %dma_wait3A_397 = tpu.memref_slice %arg2[%dma_wait3A_395, %dma_wait3A_396] : memref<32768x128xf32, #tpu.memory_space<hbm>> -> memref<128x128xf32, #tpu.memory_space<hbm>>
        %dma_wait3A_398 = arith.constant 0 : i32
        %dma_wait3A_399 = arith.constant 0 : i32
        %dma_wait3A_400 = tpu.memref_slice %arg6[%cond3A_360, %dma_wait3A_398, %dma_wait3A_399] : memref<4x128x128xf32, #tpu.memory_space<vmem>> -> memref<1x128x128xf32, #tpu.memory_space<vmem>>
        %dma_wait3A_401 = tpu.memref_squeeze %dma_wait3A_400 : memref<1x128x128xf32, #tpu.memory_space<vmem>> -> memref<128x128xf32, #tpu.memory_space<vmem>>
        %dma_wait3A_402 = arith.constant 0 : i32
        %dma_wait3A_403 = arith.constant 0 : i32
        %dma_wait3A_404 = tpu.memref_slice %arg2[%dma_wait3A_402, %dma_wait3A_403] : memref<32768x128xf32, #tpu.memory_space<hbm>> -> memref<128x128xf32, #tpu.memory_space<hbm>>
        tpu.wait_dma2 semaphore(%arg15 : memref<!tpu.dma_semaphore, #tpu.memory_space<semaphore_mem>>) src(%dma_wait3A_404 : memref<128x128xf32, #tpu.memory_space<hbm>>) dst(%dma_wait3A_401 : memref<128x128xf32, #tpu.memory_space<vmem>>)
      } else {
      }
      %mul3A_363 = arith.constant 128 : i32
      %mul3A_364 = arith.muli %add3A_357, %mul3A_363 : i32
      %add3A_365 = arith.addi %mul3A_100, %mul3A_364 : i32
      %max3A_366 = arith.maxsi %add3A_68, %add3A_365 : i32
      %mul3A_367 = arith.constant 128 : i32
      %mul3A_368 = arith.muli %add3A_357, %mul3A_367 : i32
      %add3A_369 = arith.addi %mul3A_100, %mul3A_368 : i32
      %min3A_370 = arith.constant 32640 : i32
      %min3A_371 = arith.minsi %add3A_369, %min3A_370 : i32
      %sub3A_372 = arith.subi %max3A_366, %min3A_371 : i32
      %add3A_373 = arith.constant 128 : i32
      %add3A_374 = arith.addi %add3A_365, %add3A_373 : i32
      %min3A_375 = arith.minsi %add3A_74, %add3A_374 : i32
      %mul3A_376 = arith.constant 128 : i32
      %mul3A_377 = arith.muli %add3A_357, %mul3A_376 : i32
      %add3A_378 = arith.addi %mul3A_100, %mul3A_377 : i32
      %min3A_379 = arith.constant 32640 : i32
      %min3A_380 = arith.minsi %add3A_378, %min3A_379 : i32
      %sub3A_381 = arith.subi %min3A_375, %min3A_380 : i32
      %parallel_loop3A_382 = arith.constant 1 : i32
      %parallel_loop3A_383 = arith.constant 3 : i32
      %parallel_loop3A_384:8 = scf.for %parallel_loop3A_392 = %sub3A_372 to %sub3A_381 step %parallel_loop3A_382 iter_args(%parallel_loop3A_393 = %parallel_loop3A_348#0, %parallel_loop3A_394 = %parallel_loop3A_348#1, %parallel_loop3A_395 = %parallel_loop3A_348#2, %parallel_loop3A_396 = %parallel_loop3A_348#3, %parallel_loop3A_397 = %parallel_loop3A_348#4, %parallel_loop3A_398 = %parallel_loop3A_348#5, %parallel_loop3A_399 = %parallel_loop3A_348#6, %parallel_loop3A_400 = %parallel_loop3A_348#7) -> (vector<16xf32>, vector<16xf32>, vector<16xf32>, vector<16xf32>, vector<16xf32>, vector<16xf32>, vector<16xf32>, vector<16xf32>)  : i32 {
        %parallel_loop3A_401 = arith.constant 0 : i32
        %parallel_loop3A_402 = arith.constant 0 : i32
        %parallel_loop3A_403 = tpu.memref_slice %arg6[%parallel_loop3A_383, %parallel_loop3A_401, %parallel_loop3A_402] : memref<4x128x128xf32, #tpu.memory_space<vmem>> -> memref<1x128x128xf32, #tpu.memory_space<vmem>>
        %parallel_loop3A_404 = tpu.memref_squeeze %parallel_loop3A_403 : memref<1x128x128xf32, #tpu.memory_space<vmem>> -> memref<128x128xf32, #tpu.memory_space<vmem>>
        %parallel_loop3A_405 = arith.index_cast %parallel_loop3A_392 : i32 to index
        %parallel_loop3A_406 = arith.constant 0 : index
        %parallel_loop3A_407 = tpu.vector_load %parallel_loop3A_404[%parallel_loop3A_405, %parallel_loop3A_406] {strides = array<i32>} : memref<128x128xf32, #tpu.memory_space<vmem>>, vector<1x16xf32>,
        %parallel_loop3A_408 = vector.shape_cast %parallel_loop3A_407 : vector<1x16xf32> to vector<16xf32>
        %parallel_loop3A_409 = arith.addf %parallel_loop3A_393, %parallel_loop3A_408 : vector<16xf32>
        %parallel_loop3A_410 = arith.constant 0 : i32
        %parallel_loop3A_411 = arith.constant 0 : i32
        %parallel_loop3A_412 = tpu.memref_slice %arg6[%parallel_loop3A_383, %parallel_loop3A_410, %parallel_loop3A_411] : memref<4x128x128xf32, #tpu.memory_space<vmem>> -> memref<1x128x128xf32, #tpu.memory_space<vmem>>
        %parallel_loop3A_413 = tpu.memref_squeeze %parallel_loop3A_412 : memref<1x128x128xf32, #tpu.memory_space<vmem>> -> memref<128x128xf32, #tpu.memory_space<vmem>>
        %parallel_loop3A_414 = arith.index_cast %parallel_loop3A_392 : i32 to index
        %parallel_loop3A_415 = arith.constant 16 : index
        %parallel_loop3A_416 = tpu.vector_load %parallel_loop3A_413[%parallel_loop3A_414, %parallel_loop3A_415] {strides = array<i32>} : memref<128x128xf32, #tpu.memory_space<vmem>>, vector<1x16xf32>,
        %parallel_loop3A_417 = vector.shape_cast %parallel_loop3A_416 : vector<1x16xf32> to vector<16xf32>
        %parallel_loop3A_418 = arith.addf %parallel_loop3A_394, %parallel_loop3A_417 : vector<16xf32>
        %parallel_loop3A_419 = arith.constant 0 : i32
        %parallel_loop3A_420 = arith.constant 0 : i32
        %parallel_loop3A_421 = tpu.memref_slice %arg6[%parallel_loop3A_383, %parallel_loop3A_419, %parallel_loop3A_420] : memref<4x128x128xf32, #tpu.memory_space<vmem>> -> memref<1x128x128xf32, #tpu.memory_space<vmem>>
        %parallel_loop3A_422 = tpu.memref_squeeze %parallel_loop3A_421 : memref<1x128x128xf32, #tpu.memory_space<vmem>> -> memref<128x128xf32, #tpu.memory_space<vmem>>
        %parallel_loop3A_423 = arith.index_cast %parallel_loop3A_392 : i32 to index
        %parallel_loop3A_424 = arith.constant 32 : index
        %parallel_loop3A_425 = tpu.vector_load %parallel_loop3A_422[%parallel_loop3A_423, %parallel_loop3A_424] {strides = array<i32>} : memref<128x128xf32, #tpu.memory_space<vmem>>, vector<1x16xf32>,
        %parallel_loop3A_426 = vector.shape_cast %parallel_loop3A_425 : vector<1x16xf32> to vector<16xf32>
        %parallel_loop3A_427 = arith.addf %parallel_loop3A_395, %parallel_loop3A_426 : vector<16xf32>
        %parallel_loop3A_428 = arith.constant 0 : i32
        %parallel_loop3A_429 = arith.constant 0 : i32
        %parallel_loop3A_430 = tpu.memref_slice %arg6[%parallel_loop3A_383, %parallel_loop3A_428, %parallel_loop3A_429] : memref<4x128x128xf32, #tpu.memory_space<vmem>> -> memref<1x128x128xf32, #tpu.memory_space<vmem>>
        %parallel_loop3A_431 = tpu.memref_squeeze %parallel_loop3A_430 : memref<1x128x128xf32, #tpu.memory_space<vmem>> -> memref<128x128xf32, #tpu.memory_space<vmem>>
        %parallel_loop3A_432 = arith.index_cast %parallel_loop3A_392 : i32 to index
        %parallel_loop3A_433 = arith.constant 48 : index
        %parallel_loop3A_434 = tpu.vector_load %parallel_loop3A_431[%parallel_loop3A_432, %parallel_loop3A_433] {strides = array<i32>} : memref<128x128xf32, #tpu.memory_space<vmem>>, vector<1x16xf32>,
        %parallel_loop3A_435 = vector.shape_cast %parallel_loop3A_434 : vector<1x16xf32> to vector<16xf32>
        %parallel_loop3A_436 = arith.addf %parallel_loop3A_396, %parallel_loop3A_435 : vector<16xf32>
        %parallel_loop3A_437 = arith.constant 0 : i32
        %parallel_loop3A_438 = arith.constant 0 : i32
        %parallel_loop3A_439 = tpu.memref_slice %arg6[%parallel_loop3A_383, %parallel_loop3A_437, %parallel_loop3A_438] : memref<4x128x128xf32, #tpu.memory_space<vmem>> -> memref<1x128x128xf32, #tpu.memory_space<vmem>>
        %parallel_loop3A_440 = tpu.memref_squeeze %parallel_loop3A_439 : memref<1x128x128xf32, #tpu.memory_space<vmem>> -> memref<128x128xf32, #tpu.memory_space<vmem>>
        %parallel_loop3A_441 = arith.index_cast %parallel_loop3A_392 : i32 to index
        %parallel_loop3A_442 = arith.constant 64 : index
        %parallel_loop3A_443 = tpu.vector_load %parallel_loop3A_440[%parallel_loop3A_441, %parallel_loop3A_442] {strides = array<i32>} : memref<128x128xf32, #tpu.memory_space<vmem>>, vector<1x16xf32>,
        %parallel_loop3A_444 = vector.shape_cast %parallel_loop3A_443 : vector<1x16xf32> to vector<16xf32>
        %parallel_loop3A_445 = arith.addf %parallel_loop3A_397, %parallel_loop3A_444 : vector<16xf32>
        %parallel_loop3A_446 = arith.constant 0 : i32
        %parallel_loop3A_447 = arith.constant 0 : i32
        %parallel_loop3A_448 = tpu.memref_slice %arg6[%parallel_loop3A_383, %parallel_loop3A_446, %parallel_loop3A_447] : memref<4x128x128xf32, #tpu.memory_space<vmem>> -> memref<1x128x128xf32, #tpu.memory_space<vmem>>
        %parallel_loop3A_449 = tpu.memref_squeeze %parallel_loop3A_448 : memref<1x128x128xf32, #tpu.memory_space<vmem>> -> memref<128x128xf32, #tpu.memory_space<vmem>>
        %parallel_loop3A_450 = arith.index_cast %parallel_loop3A_392 : i32 to index
        %parallel_loop3A_451 = arith.constant 80 : index
        %parallel_loop3A_452 = tpu.vector_load %parallel_loop3A_449[%parallel_loop3A_450, %parallel_loop3A_451] {strides = array<i32>} : memref<128x128xf32, #tpu.memory_space<vmem>>, vector<1x16xf32>,
        %parallel_loop3A_453 = vector.shape_cast %parallel_loop3A_452 : vector<1x16xf32> to vector<16xf32>
        %parallel_loop3A_454 = arith.addf %parallel_loop3A_398, %parallel_loop3A_453 : vector<16xf32>
        %parallel_loop3A_455 = arith.constant 0 : i32
        %parallel_loop3A_456 = arith.constant 0 : i32
        %parallel_loop3A_457 = tpu.memref_slice %arg6[%parallel_loop3A_383, %parallel_loop3A_455, %parallel_loop3A_456] : memref<4x128x128xf32, #tpu.memory_space<vmem>> -> memref<1x128x128xf32, #tpu.memory_space<vmem>>
        %parallel_loop3A_458 = tpu.memref_squeeze %parallel_loop3A_457 : memref<1x128x128xf32, #tpu.memory_space<vmem>> -> memref<128x128xf32, #tpu.memory_space<vmem>>
        %parallel_loop3A_459 = arith.index_cast %parallel_loop3A_392 : i32 to index
        %parallel_loop3A_460 = arith.constant 96 : index
        %parallel_loop3A_461 = tpu.vector_load %parallel_loop3A_458[%parallel_loop3A_459, %parallel_loop3A_460] {strides = array<i32>} : memref<128x128xf32, #tpu.memory_space<vmem>>, vector<1x16xf32>,
        %parallel_loop3A_462 = vector.shape_cast %parallel_loop3A_461 : vector<1x16xf32> to vector<16xf32>
        %parallel_loop3A_463 = arith.addf %parallel_loop3A_399, %parallel_loop3A_462 : vector<16xf32>
        %parallel_loop3A_464 = arith.constant 0 : i32
        %parallel_loop3A_465 = arith.constant 0 : i32
        %parallel_loop3A_466 = tpu.memref_slice %arg6[%parallel_loop3A_383, %parallel_loop3A_464, %parallel_loop3A_465] : memref<4x128x128xf32, #tpu.memory_space<vmem>> -> memref<1x128x128xf32, #tpu.memory_space<vmem>>
        %parallel_loop3A_467 = tpu.memref_squeeze %parallel_loop3A_466 : memref<1x128x128xf32, #tpu.memory_space<vmem>> -> memref<128x128xf32, #tpu.memory_space<vmem>>
        %parallel_loop3A_468 = arith.index_cast %parallel_loop3A_392 : i32 to index
        %parallel_loop3A_469 = arith.constant 112 : index
        %parallel_loop3A_470 = tpu.vector_load %parallel_loop3A_467[%parallel_loop3A_468, %parallel_loop3A_469] {strides = array<i32>} : memref<128x128xf32, #tpu.memory_space<vmem>>, vector<1x16xf32>,
        %parallel_loop3A_471 = vector.shape_cast %parallel_loop3A_470 : vector<1x16xf32> to vector<16xf32>
        %parallel_loop3A_472 = arith.addf %parallel_loop3A_400, %parallel_loop3A_471 : vector<16xf32>
        scf.yield %parallel_loop3A_409, %parallel_loop3A_418, %parallel_loop3A_427, %parallel_loop3A_436, %parallel_loop3A_445, %parallel_loop3A_454, %parallel_loop3A_463, %parallel_loop3A_472 : vector<16xf32>, vector<16xf32>, vector<16xf32>, vector<16xf32>, vector<16xf32>, vector<16xf32>, vector<16xf32>, vector<16xf32>
      } {sc.loop_unroll_factor = 4 : i64, sc.parallel_access}
      %add3A_385 = arith.constant 4 : i32
      %add3A_386 = arith.addi %add3A_357, %add3A_385 : i32
      %lt3A_387 = arith.cmpi slt, %add3A_386, %select_n3A_129 : i32
      %convert_element_type3A_388 = arith.extui %lt3A_387 : i1 to i32
      %cond3A_389 = arith.constant 3 : i32
      %cond3A_390 = arith.constant 0 : i32
      %cond3A_391 = arith.cmpi ne, %convert_element_type3A_388, %cond3A_390 : i32
      scf.if %cond3A_391 {
        %mul3A_392 = arith.constant 128 : i32
        %mul3A_393 = arith.muli %add3A_386, %mul3A_392 : i32
        %add3A_394 = arith.addi %mul3A_100, %mul3A_393 : i32
        %min3A_395 = arith.constant 32640 : i32
        %min3A_396 = arith.minsi %add3A_394, %min3A_395 : i32
        %dma_start3A = arith.constant 0 : i32
        %dma_start3A_397 = arith.constant 0 : i32
        %dma_start3A_398 = tpu.memref_slice %arg6[%cond3A_389, %dma_start3A, %dma_start3A_397] : memref<4x128x128xf32, #tpu.memory_space<vmem>> -> memref<1x128x128xf32, #tpu.memory_space<vmem>>
        %dma_start3A_399 = tpu.memref_squeeze %dma_start3A_398 : memref<1x128x128xf32, #tpu.memory_space<vmem>> -> memref<128x128xf32, #tpu.memory_space<vmem>>
        %dma_start3A_400 = arith.constant 0 : i32
        %dma_start3A_401 = tpu.memref_slice %arg2[%min3A_396, %dma_start3A_400] : memref<32768x128xf32, #tpu.memory_space<hbm>> -> memref<128x128xf32, #tpu.memory_space<hbm>>
        %dma_start3A_402 = arith.constant 0 : i32
        %dma_start3A_403 = arith.constant 0 : i32
        %dma_start3A_404 = tpu.memref_slice %arg6[%cond3A_389, %dma_start3A_402, %dma_start3A_403] : memref<4x128x128xf32, #tpu.memory_space<vmem>> -> memref<1x128x128xf32, #tpu.memory_space<vmem>>
        %dma_start3A_405 = tpu.memref_squeeze %dma_start3A_404 : memref<1x128x128xf32, #tpu.memory_space<vmem>> -> memref<128x128xf32, #tpu.memory_space<vmem>>
        %dma_start3A_406 = arith.constant 0 : i32
        %dma_start3A_407 = tpu.memref_slice %arg2[%min3A_396, %dma_start3A_406] : memref<32768x128xf32, #tpu.memory_space<hbm>> -> memref<128x128xf32, #tpu.memory_space<hbm>>
        tpu.enqueue_dma source(%dma_start3A_407 : memref<128x128xf32, #tpu.memory_space<hbm>>) target(%dma_start3A_405 : memref<128x128xf32, #tpu.memory_space<vmem>>) target_semaphore(%arg15 : memref<!tpu.dma_semaphore, #tpu.memory_space<semaphore_mem>>)
      } else {
      }
      scf.yield %parallel_loop3A_384#0, %parallel_loop3A_384#1, %parallel_loop3A_384#2, %parallel_loop3A_384#3, %parallel_loop3A_384#4, %parallel_loop3A_384#5, %parallel_loop3A_384#6, %parallel_loop3A_384#7 : vector<16xf32>, vector<16xf32>, vector<16xf32>, vector<16xf32>, vector<16xf32>, vector<16xf32>, vector<16xf32>, vector<16xf32>
    }
    %swap3A = arith.constant 0 : index
    %swap3A_204 = tpu.vector_load %arg7[%swap3A] {strides = array<i32>} : memref<128xf32, #tpu.memory_space<vmem>>, vector<16xf32>,
    %swap3A_205 = vector.shape_cast %swap3A_204 : vector<16xf32> to vector<16xf32>
    %swap3A_206 = vector.shape_cast %while3A_203#0 : vector<16xf32> to vector<16xf32>
    tpu.vector_store %arg7[%swap3A], %swap3A_206 {strides = array<i32>} : memref<128xf32, #tpu.memory_space<vmem>>, vector<16xf32>,
    %swap3A_207 = arith.constant 16 : index
    %swap3A_208 = tpu.vector_load %arg7[%swap3A_207] {strides = array<i32>} : memref<128xf32, #tpu.memory_space<vmem>>, vector<16xf32>,
    %swap3A_209 = vector.shape_cast %swap3A_208 : vector<16xf32> to vector<16xf32>
    %swap3A_210 = vector.shape_cast %while3A_203#1 : vector<16xf32> to vector<16xf32>
    tpu.vector_store %arg7[%swap3A_207], %swap3A_210 {strides = array<i32>} : memref<128xf32, #tpu.memory_space<vmem>>, vector<16xf32>,
    %swap3A_211 = arith.constant 32 : index
    %swap3A_212 = tpu.vector_load %arg7[%swap3A_211] {strides = array<i32>} : memref<128xf32, #tpu.memory_space<vmem>>, vector<16xf32>,
    %swap3A_213 = vector.shape_cast %swap3A_212 : vector<16xf32> to vector<16xf32>
    %swap3A_214 = vector.shape_cast %while3A_203#2 : vector<16xf32> to vector<16xf32>
    tpu.vector_store %arg7[%swap3A_211], %swap3A_214 {strides = array<i32>} : memref<128xf32, #tpu.memory_space<vmem>>, vector<16xf32>,
    %swap3A_215 = arith.constant 48 : index
    %swap3A_216 = tpu.vector_load %arg7[%swap3A_215] {strides = array<i32>} : memref<128xf32, #tpu.memory_space<vmem>>, vector<16xf32>,
    %swap3A_217 = vector.shape_cast %swap3A_216 : vector<16xf32> to vector<16xf32>
    %swap3A_218 = vector.shape_cast %while3A_203#3 : vector<16xf32> to vector<16xf32>
    tpu.vector_store %arg7[%swap3A_215], %swap3A_218 {strides = array<i32>} : memref<128xf32, #tpu.memory_space<vmem>>, vector<16xf32>,
    %swap3A_219 = arith.constant 64 : index
    %swap3A_220 = tpu.vector_load %arg7[%swap3A_219] {strides = array<i32>} : memref<128xf32, #tpu.memory_space<vmem>>, vector<16xf32>,
    %swap3A_221 = vector.shape_cast %swap3A_220 : vector<16xf32> to vector<16xf32>
    %swap3A_222 = vector.shape_cast %while3A_203#4 : vector<16xf32> to vector<16xf32>
    tpu.vector_store %arg7[%swap3A_219], %swap3A_222 {strides = array<i32>} : memref<128xf32, #tpu.memory_space<vmem>>, vector<16xf32>,
    %swap3A_223 = arith.constant 80 : index
    %swap3A_224 = tpu.vector_load %arg7[%swap3A_223] {strides = array<i32>} : memref<128xf32, #tpu.memory_space<vmem>>, vector<16xf32>,
    %swap3A_225 = vector.shape_cast %swap3A_224 : vector<16xf32> to vector<16xf32>
    %swap3A_226 = vector.shape_cast %while3A_203#5 : vector<16xf32> to vector<16xf32>
    tpu.vector_store %arg7[%swap3A_223], %swap3A_226 {strides = array<i32>} : memref<128xf32, #tpu.memory_space<vmem>>, vector<16xf32>,
    %swap3A_227 = arith.constant 96 : index
    %swap3A_228 = tpu.vector_load %arg7[%swap3A_227] {strides = array<i32>} : memref<128xf32, #tpu.memory_space<vmem>>, vector<16xf32>,
    %swap3A_229 = vector.shape_cast %swap3A_228 : vector<16xf32> to vector<16xf32>
    %swap3A_230 = vector.shape_cast %while3A_203#6 : vector<16xf32> to vector<16xf32>
    tpu.vector_store %arg7[%swap3A_227], %swap3A_230 {strides = array<i32>} : memref<128xf32, #tpu.memory_space<vmem>>, vector<16xf32>,
    %swap3A_231 = arith.constant 112 : index
    %swap3A_232 = tpu.vector_load %arg7[%swap3A_231] {strides = array<i32>} : memref<128xf32, #tpu.memory_space<vmem>>, vector<16xf32>,
    %swap3A_233 = vector.shape_cast %swap3A_232 : vector<16xf32> to vector<16xf32>
    %swap3A_234 = vector.shape_cast %while3A_203#7 : vector<16xf32> to vector<16xf32>
    tpu.vector_store %arg7[%swap3A_231], %swap3A_234 {strides = array<i32>} : memref<128xf32, #tpu.memory_space<vmem>>, vector<16xf32>,
    "tpu.region"() ({
      %run_scoped3A_240 = tpu.sem_alloc : memref<!tpu.dma_semaphore, #tpu.memory_space<semaphore_mem>>
      %dma_start3A = arith.constant 0 : i32
      %dma_start3A_241 = tpu.memref_slice %arg11[%arg1, %dma_start3A] : memref<16x128xf32, #tpu.memory_space<vmem_shared>> -> memref<1x128xf32, #tpu.memory_space<vmem_shared>>
      %dma_start3A_242 = tpu.memref_squeeze %dma_start3A_241 : memref<1x128xf32, #tpu.memory_space<vmem_shared>> -> memref<128xf32, #tpu.memory_space<vmem_shared>>
      %dma_start3A_243 = arith.constant 0 : i32
      %dma_start3A_244 = tpu.memref_slice %arg11[%arg1, %dma_start3A_243] : memref<16x128xf32, #tpu.memory_space<vmem_shared>> -> memref<1x128xf32, #tpu.memory_space<vmem_shared>>
      %dma_start3A_245 = tpu.memref_squeeze %dma_start3A_244 : memref<1x128xf32, #tpu.memory_space<vmem_shared>> -> memref<128xf32, #tpu.memory_space<vmem_shared>>
      tpu.enqueue_dma source(%arg7 : memref<128xf32, #tpu.memory_space<vmem>>) target(%dma_start3A_245 : memref<128xf32, #tpu.memory_space<vmem_shared>>) target_semaphore(%run_scoped3A_240 : memref<!tpu.dma_semaphore, #tpu.memory_space<semaphore_mem>>)
      %dma_wait3A = arith.constant 0 : i32
      %dma_wait3A_246 = tpu.memref_slice %arg11[%arg1, %dma_wait3A] : memref<16x128xf32, #tpu.memory_space<vmem_shared>> -> memref<1x128xf32, #tpu.memory_space<vmem_shared>>
      %dma_wait3A_247 = tpu.memref_squeeze %dma_wait3A_246 : memref<1x128xf32, #tpu.memory_space<vmem_shared>> -> memref<128xf32, #tpu.memory_space<vmem_shared>>
      %dma_wait3A_248 = arith.constant 0 : i32
      %dma_wait3A_249 = tpu.memref_slice %arg11[%arg1, %dma_wait3A_248] : memref<16x128xf32, #tpu.memory_space<vmem_shared>> -> memref<1x128xf32, #tpu.memory_space<vmem_shared>>
      %dma_wait3A_250 = tpu.memref_squeeze %dma_wait3A_249 : memref<1x128xf32, #tpu.memory_space<vmem_shared>> -> memref<128xf32, #tpu.memory_space<vmem_shared>>
      tpu.wait_dma2 semaphore(%run_scoped3A_240 : memref<!tpu.dma_semaphore, #tpu.memory_space<semaphore_mem>>) src(%arg7 : memref<128xf32, #tpu.memory_space<vmem>>) dst(%dma_wait3A_250 : memref<128xf32, #tpu.memory_space<vmem_shared>>)
      tpu.yield
    }) : () -> ()
    %barrier3A = arith.constant 0 : index
    tpu.barrier barrier_id(%barrier3A)
    %lt3A_235 = arith.constant 8 : i32
    %lt3A_236 = arith.cmpi slt, %arg1, %lt3A_235 : i32
    %convert_element_type3A_237 = arith.extui %lt3A_236 : i1 to i32
    %cond3A_238 = arith.constant 0 : i32
    %cond3A_239 = arith.cmpi ne, %convert_element_type3A_237, %cond3A_238 : i32
    scf.if %cond3A_239 {
      %mul3A_240 = arith.constant 2 : i32
      %mul3A_241 = arith.muli %mul3A_240, %arg1 : i32
      "tpu.region"() ({
        %run_scoped3A_356 = tpu.sem_alloc : memref<!tpu.dma_semaphore, #tpu.memory_space<semaphore_mem>>
        %dma_start3A = arith.constant 0 : i32
        %dma_start3A_357 = tpu.memref_slice %arg11[%mul3A_241, %dma_start3A] : memref<16x128xf32, #tpu.memory_space<vmem_shared>> -> memref<1x128xf32, #tpu.memory_space<vmem_shared>>
        %dma_start3A_358 = tpu.memref_squeeze %dma_start3A_357 : memref<1x128xf32, #tpu.memory_space<vmem_shared>> -> memref<128xf32, #tpu.memory_space<vmem_shared>>
        %dma_start3A_359 = arith.constant 0 : i32
        %dma_start3A_360 = tpu.memref_slice %arg11[%mul3A_241, %dma_start3A_359] : memref<16x128xf32, #tpu.memory_space<vmem_shared>> -> memref<1x128xf32, #tpu.memory_space<vmem_shared>>
        %dma_start3A_361 = tpu.memref_squeeze %dma_start3A_360 : memref<1x128xf32, #tpu.memory_space<vmem_shared>> -> memref<128xf32, #tpu.memory_space<vmem_shared>>
        tpu.enqueue_dma source(%dma_start3A_361 : memref<128xf32, #tpu.memory_space<vmem_shared>>) target(%arg8 : memref<128xf32, #tpu.memory_space<vmem>>) target_semaphore(%run_scoped3A_356 : memref<!tpu.dma_semaphore, #tpu.memory_space<semaphore_mem>>)
        %dma_wait3A = arith.constant 0 : i32
        %dma_wait3A_362 = tpu.memref_slice %arg11[%mul3A_241, %dma_wait3A] : memref<16x128xf32, #tpu.memory_space<vmem_shared>> -> memref<1x128xf32, #tpu.memory_space<vmem_shared>>
        %dma_wait3A_363 = tpu.memref_squeeze %dma_wait3A_362 : memref<1x128xf32, #tpu.memory_space<vmem_shared>> -> memref<128xf32, #tpu.memory_space<vmem_shared>>
        %dma_wait3A_364 = arith.constant 0 : i32
        %dma_wait3A_365 = tpu.memref_slice %arg11[%mul3A_241, %dma_wait3A_364] : memref<16x128xf32, #tpu.memory_space<vmem_shared>> -> memref<1x128xf32, #tpu.memory_space<vmem_shared>>
        %dma_wait3A_366 = tpu.memref_squeeze %dma_wait3A_365 : memref<1x128xf32, #tpu.memory_space<vmem_shared>> -> memref<128xf32, #tpu.memory_space<vmem_shared>>
        tpu.wait_dma2 semaphore(%run_scoped3A_356 : memref<!tpu.dma_semaphore, #tpu.memory_space<semaphore_mem>>) src(%dma_wait3A_366 : memref<128xf32, #tpu.memory_space<vmem_shared>>) dst(%arg8 : memref<128xf32, #tpu.memory_space<vmem>>)
        tpu.yield
      }) : () -> ()
      %mul3A_242 = arith.constant 2 : i32
      %mul3A_243 = arith.muli %mul3A_242, %arg1 : i32
      %add3A_244 = arith.constant 1 : i32
      %add3A_245 = arith.addi %mul3A_243, %add3A_244 : i32
      "tpu.region"() ({
        %run_scoped3A_356 = tpu.sem_alloc : memref<!tpu.dma_semaphore, #tpu.memory_space<semaphore_mem>>
        %dma_start3A = arith.constant 0 : i32
        %dma_start3A_357 = tpu.memref_slice %arg11[%add3A_245, %dma_start3A] : memref<16x128xf32, #tpu.memory_space<vmem_shared>> -> memref<1x128xf32, #tpu.memory_space<vmem_shared>>
        %dma_start3A_358 = tpu.memref_squeeze %dma_start3A_357 : memref<1x128xf32, #tpu.memory_space<vmem_shared>> -> memref<128xf32, #tpu.memory_space<vmem_shared>>
        %dma_start3A_359 = arith.constant 0 : i32
        %dma_start3A_360 = tpu.memref_slice %arg11[%add3A_245, %dma_start3A_359] : memref<16x128xf32, #tpu.memory_space<vmem_shared>> -> memref<1x128xf32, #tpu.memory_space<vmem_shared>>
        %dma_start3A_361 = tpu.memref_squeeze %dma_start3A_360 : memref<1x128xf32, #tpu.memory_space<vmem_shared>> -> memref<128xf32, #tpu.memory_space<vmem_shared>>
        tpu.enqueue_dma source(%dma_start3A_361 : memref<128xf32, #tpu.memory_space<vmem_shared>>) target(%arg9 : memref<128xf32, #tpu.memory_space<vmem>>) target_semaphore(%run_scoped3A_356 : memref<!tpu.dma_semaphore, #tpu.memory_space<semaphore_mem>>)
        %dma_wait3A = arith.constant 0 : i32
        %dma_wait3A_362 = tpu.memref_slice %arg11[%add3A_245, %dma_wait3A] : memref<16x128xf32, #tpu.memory_space<vmem_shared>> -> memref<1x128xf32, #tpu.memory_space<vmem_shared>>
        %dma_wait3A_363 = tpu.memref_squeeze %dma_wait3A_362 : memref<1x128xf32, #tpu.memory_space<vmem_shared>> -> memref<128xf32, #tpu.memory_space<vmem_shared>>
        %dma_wait3A_364 = arith.constant 0 : i32
        %dma_wait3A_365 = tpu.memref_slice %arg11[%add3A_245, %dma_wait3A_364] : memref<16x128xf32, #tpu.memory_space<vmem_shared>> -> memref<1x128xf32, #tpu.memory_space<vmem_shared>>
        %dma_wait3A_366 = tpu.memref_squeeze %dma_wait3A_365 : memref<1x128xf32, #tpu.memory_space<vmem_shared>> -> memref<128xf32, #tpu.memory_space<vmem_shared>>
        tpu.wait_dma2 semaphore(%run_scoped3A_356 : memref<!tpu.dma_semaphore, #tpu.memory_space<semaphore_mem>>) src(%dma_wait3A_366 : memref<128xf32, #tpu.memory_space<vmem_shared>>) dst(%arg9 : memref<128xf32, #tpu.memory_space<vmem>>)
        tpu.yield
      }) : () -> ()
      %mul3A_246 = arith.constant 8 : i32
      %mul3A_247 = arith.muli %arg0, %mul3A_246 : i32
      %add3A_248 = arith.addi %mul3A_247, %arg1 : i32
      %get3A_249 = arith.constant 1 : i32
      %get3A_250 = arith.index_cast %get3A_249 : i32 to index
      %get3A_251 = arith.index_cast %add3A_248 : i32 to index
      %get3A_252 = tpu.vector_load %arg10[%get3A_250, %get3A_251] {strides = array<i32>} : memref<2x32xi32, #tpu.memory_space<vmem>>, vector<1x16xi32>,
      %get3A_253 = vector.shape_cast %get3A_252 : vector<1x16xi32> to vector<16xi32>
      %slice3A_254 = vector.extract_strided_slice %get3A_253 {offsets = [0], sizes = [1], strides = [1]} : vector<16xi32> to vector<1xi32>
      %squeeze3A_255 = vector.extract %slice3A_254[0] : i32 from vector<1xi32>
      %broadcast_in_dim3A_256 = vector.broadcast %squeeze3A_255 : i32 to vector<16xi32>
      %convert_element_type3A_257 = arith.sitofp %broadcast_in_dim3A_256 : vector<16xi32> to vector<16xf32>
      %get3A_258 = arith.constant 0 : index
      %get3A_259 = tpu.vector_load %arg8[%get3A_258] {strides = array<i32>} : memref<128xf32, #tpu.memory_space<vmem>>, vector<16xf32>,
      %get3A_260 = vector.shape_cast %get3A_259 : vector<16xf32> to vector<16xf32>
      %get3A_261 = arith.constant 0 : index
      %get3A_262 = tpu.vector_load %arg9[%get3A_261] {strides = array<i32>} : memref<128xf32, #tpu.memory_space<vmem>>, vector<16xf32>,
      %get3A_263 = vector.shape_cast %get3A_262 : vector<16xf32> to vector<16xf32>
      %add3A_264 = arith.addf %get3A_260, %get3A_263 : vector<16xf32>
      %div3A_265 = arith.divf %add3A_264, %convert_element_type3A_257 : vector<16xf32>
      %swap3A_266 = arith.constant 0 : index
      %swap3A_267 = tpu.vector_load %arg8[%swap3A_266] {strides = array<i32>} : memref<128xf32, #tpu.memory_space<vmem>>, vector<16xf32>,
      %swap3A_268 = vector.shape_cast %swap3A_267 : vector<16xf32> to vector<16xf32>
      %swap3A_269 = vector.shape_cast %div3A_265 : vector<16xf32> to vector<16xf32>
      tpu.vector_store %arg8[%swap3A_266], %swap3A_269 {strides = array<i32>} : memref<128xf32, #tpu.memory_space<vmem>>, vector<16xf32>,
      %get3A_270 = arith.constant 16 : index
      %get3A_271 = tpu.vector_load %arg8[%get3A_270] {strides = array<i32>} : memref<128xf32, #tpu.memory_space<vmem>>, vector<16xf32>,
      %get3A_272 = vector.shape_cast %get3A_271 : vector<16xf32> to vector<16xf32>
      %get3A_273 = arith.constant 16 : index
      %get3A_274 = tpu.vector_load %arg9[%get3A_273] {strides = array<i32>} : memref<128xf32, #tpu.memory_space<vmem>>, vector<16xf32>,
      %get3A_275 = vector.shape_cast %get3A_274 : vector<16xf32> to vector<16xf32>
      %add3A_276 = arith.addf %get3A_272, %get3A_275 : vector<16xf32>
      %div3A_277 = arith.divf %add3A_276, %convert_element_type3A_257 : vector<16xf32>
      %swap3A_278 = arith.constant 16 : index
      %swap3A_279 = tpu.vector_load %arg8[%swap3A_278] {strides = array<i32>} : memref<128xf32, #tpu.memory_space<vmem>>, vector<16xf32>,
      %swap3A_280 = vector.shape_cast %swap3A_279 : vector<16xf32> to vector<16xf32>
      %swap3A_281 = vector.shape_cast %div3A_277 : vector<16xf32> to vector<16xf32>
      tpu.vector_store %arg8[%swap3A_278], %swap3A_281 {strides = array<i32>} : memref<128xf32, #tpu.memory_space<vmem>>, vector<16xf32>,
      %get3A_282 = arith.constant 32 : index
      %get3A_283 = tpu.vector_load %arg8[%get3A_282] {strides = array<i32>} : memref<128xf32, #tpu.memory_space<vmem>>, vector<16xf32>,
      %get3A_284 = vector.shape_cast %get3A_283 : vector<16xf32> to vector<16xf32>
      %get3A_285 = arith.constant 32 : index
      %get3A_286 = tpu.vector_load %arg9[%get3A_285] {strides = array<i32>} : memref<128xf32, #tpu.memory_space<vmem>>, vector<16xf32>,
      %get3A_287 = vector.shape_cast %get3A_286 : vector<16xf32> to vector<16xf32>
      %add3A_288 = arith.addf %get3A_284, %get3A_287 : vector<16xf32>
      %div3A_289 = arith.divf %add3A_288, %convert_element_type3A_257 : vector<16xf32>
      %swap3A_290 = arith.constant 32 : index
      %swap3A_291 = tpu.vector_load %arg8[%swap3A_290] {strides = array<i32>} : memref<128xf32, #tpu.memory_space<vmem>>, vector<16xf32>,
      %swap3A_292 = vector.shape_cast %swap3A_291 : vector<16xf32> to vector<16xf32>
      %swap3A_293 = vector.shape_cast %div3A_289 : vector<16xf32> to vector<16xf32>
      tpu.vector_store %arg8[%swap3A_290], %swap3A_293 {strides = array<i32>} : memref<128xf32, #tpu.memory_space<vmem>>, vector<16xf32>,
      %get3A_294 = arith.constant 48 : index
      %get3A_295 = tpu.vector_load %arg8[%get3A_294] {strides = array<i32>} : memref<128xf32, #tpu.memory_space<vmem>>, vector<16xf32>,
      %get3A_296 = vector.shape_cast %get3A_295 : vector<16xf32> to vector<16xf32>
      %get3A_297 = arith.constant 48 : index
      %get3A_298 = tpu.vector_load %arg9[%get3A_297] {strides = array<i32>} : memref<128xf32, #tpu.memory_space<vmem>>, vector<16xf32>,
      %get3A_299 = vector.shape_cast %get3A_298 : vector<16xf32> to vector<16xf32>
      %add3A_300 = arith.addf %get3A_296, %get3A_299 : vector<16xf32>
      %div3A_301 = arith.divf %add3A_300, %convert_element_type3A_257 : vector<16xf32>
      %swap3A_302 = arith.constant 48 : index
      %swap3A_303 = tpu.vector_load %arg8[%swap3A_302] {strides = array<i32>} : memref<128xf32, #tpu.memory_space<vmem>>, vector<16xf32>,
      %swap3A_304 = vector.shape_cast %swap3A_303 : vector<16xf32> to vector<16xf32>
      %swap3A_305 = vector.shape_cast %div3A_301 : vector<16xf32> to vector<16xf32>
      tpu.vector_store %arg8[%swap3A_302], %swap3A_305 {strides = array<i32>} : memref<128xf32, #tpu.memory_space<vmem>>, vector<16xf32>,
      %get3A_306 = arith.constant 64 : index
      %get3A_307 = tpu.vector_load %arg8[%get3A_306] {strides = array<i32>} : memref<128xf32, #tpu.memory_space<vmem>>, vector<16xf32>,
      %get3A_308 = vector.shape_cast %get3A_307 : vector<16xf32> to vector<16xf32>
      %get3A_309 = arith.constant 64 : index
      %get3A_310 = tpu.vector_load %arg9[%get3A_309] {strides = array<i32>} : memref<128xf32, #tpu.memory_space<vmem>>, vector<16xf32>,
      %get3A_311 = vector.shape_cast %get3A_310 : vector<16xf32> to vector<16xf32>
      %add3A_312 = arith.addf %get3A_308, %get3A_311 : vector<16xf32>
      %div3A_313 = arith.divf %add3A_312, %convert_element_type3A_257 : vector<16xf32>
      %swap3A_314 = arith.constant 64 : index
      %swap3A_315 = tpu.vector_load %arg8[%swap3A_314] {strides = array<i32>} : memref<128xf32, #tpu.memory_space<vmem>>, vector<16xf32>,
      %swap3A_316 = vector.shape_cast %swap3A_315 : vector<16xf32> to vector<16xf32>
      %swap3A_317 = vector.shape_cast %div3A_313 : vector<16xf32> to vector<16xf32>
      tpu.vector_store %arg8[%swap3A_314], %swap3A_317 {strides = array<i32>} : memref<128xf32, #tpu.memory_space<vmem>>, vector<16xf32>,
      %get3A_318 = arith.constant 80 : index
      %get3A_319 = tpu.vector_load %arg8[%get3A_318] {strides = array<i32>} : memref<128xf32, #tpu.memory_space<vmem>>, vector<16xf32>,
      %get3A_320 = vector.shape_cast %get3A_319 : vector<16xf32> to vector<16xf32>
      %get3A_321 = arith.constant 80 : index
      %get3A_322 = tpu.vector_load %arg9[%get3A_321] {strides = array<i32>} : memref<128xf32, #tpu.memory_space<vmem>>, vector<16xf32>,
      %get3A_323 = vector.shape_cast %get3A_322 : vector<16xf32> to vector<16xf32>
      %add3A_324 = arith.addf %get3A_320, %get3A_323 : vector<16xf32>
      %div3A_325 = arith.divf %add3A_324, %convert_element_type3A_257 : vector<16xf32>
      %swap3A_326 = arith.constant 80 : index
      %swap3A_327 = tpu.vector_load %arg8[%swap3A_326] {strides = array<i32>} : memref<128xf32, #tpu.memory_space<vmem>>, vector<16xf32>,
      %swap3A_328 = vector.shape_cast %swap3A_327 : vector<16xf32> to vector<16xf32>
      %swap3A_329 = vector.shape_cast %div3A_325 : vector<16xf32> to vector<16xf32>
      tpu.vector_store %arg8[%swap3A_326], %swap3A_329 {strides = array<i32>} : memref<128xf32, #tpu.memory_space<vmem>>, vector<16xf32>,
      %get3A_330 = arith.constant 96 : index
      %get3A_331 = tpu.vector_load %arg8[%get3A_330] {strides = array<i32>} : memref<128xf32, #tpu.memory_space<vmem>>, vector<16xf32>,
      %get3A_332 = vector.shape_cast %get3A_331 : vector<16xf32> to vector<16xf32>
      %get3A_333 = arith.constant 96 : index
      %get3A_334 = tpu.vector_load %arg9[%get3A_333] {strides = array<i32>} : memref<128xf32, #tpu.memory_space<vmem>>, vector<16xf32>,
      %get3A_335 = vector.shape_cast %get3A_334 : vector<16xf32> to vector<16xf32>
      %add3A_336 = arith.addf %get3A_332, %get3A_335 : vector<16xf32>
      %div3A_337 = arith.divf %add3A_336, %convert_element_type3A_257 : vector<16xf32>
      %swap3A_338 = arith.constant 96 : index
      %swap3A_339 = tpu.vector_load %arg8[%swap3A_338] {strides = array<i32>} : memref<128xf32, #tpu.memory_space<vmem>>, vector<16xf32>,
      %swap3A_340 = vector.shape_cast %swap3A_339 : vector<16xf32> to vector<16xf32>
      %swap3A_341 = vector.shape_cast %div3A_337 : vector<16xf32> to vector<16xf32>
      tpu.vector_store %arg8[%swap3A_338], %swap3A_341 {strides = array<i32>} : memref<128xf32, #tpu.memory_space<vmem>>, vector<16xf32>,
      %get3A_342 = arith.constant 112 : index
      %get3A_343 = tpu.vector_load %arg8[%get3A_342] {strides = array<i32>} : memref<128xf32, #tpu.memory_space<vmem>>, vector<16xf32>,
      %get3A_344 = vector.shape_cast %get3A_343 : vector<16xf32> to vector<16xf32>
      %get3A_345 = arith.constant 112 : index
      %get3A_346 = tpu.vector_load %arg9[%get3A_345] {strides = array<i32>} : memref<128xf32, #tpu.memory_space<vmem>>, vector<16xf32>,
      %get3A_347 = vector.shape_cast %get3A_346 : vector<16xf32> to vector<16xf32>
      %add3A_348 = arith.addf %get3A_344, %get3A_347 : vector<16xf32>
      %div3A_349 = arith.divf %add3A_348, %convert_element_type3A_257 : vector<16xf32>
      %swap3A_350 = arith.constant 112 : index
      %swap3A_351 = tpu.vector_load %arg8[%swap3A_350] {strides = array<i32>} : memref<128xf32, #tpu.memory_space<vmem>>, vector<16xf32>,
      %swap3A_352 = vector.shape_cast %swap3A_351 : vector<16xf32> to vector<16xf32>
      %swap3A_353 = vector.shape_cast %div3A_349 : vector<16xf32> to vector<16xf32>
      tpu.vector_store %arg8[%swap3A_350], %swap3A_353 {strides = array<i32>} : memref<128xf32, #tpu.memory_space<vmem>>, vector<16xf32>,
      %mul3A_354 = arith.constant 128 : i32
      %mul3A_355 = arith.muli %add3A_248, %mul3A_354 : i32
      "tpu.region"() ({
        %run_scoped3A_356 = tpu.sem_alloc : memref<!tpu.dma_semaphore, #tpu.memory_space<semaphore_mem>>
        %dma_start3A = tpu.memref_slice %arg5[%mul3A_355] : memref<2048xf32, #tpu.memory_space<hbm>> -> memref<128xf32, #tpu.memory_space<hbm>>
        %dma_start3A_357 = tpu.memref_slice %arg5[%mul3A_355] : memref<2048xf32, #tpu.memory_space<hbm>> -> memref<128xf32, #tpu.memory_space<hbm>>
        tpu.enqueue_dma source(%arg8 : memref<128xf32, #tpu.memory_space<vmem>>) target(%dma_start3A_357 : memref<128xf32, #tpu.memory_space<hbm>>) target_semaphore(%run_scoped3A_356 : memref<!tpu.dma_semaphore, #tpu.memory_space<semaphore_mem>>)
        %dma_wait3A = tpu.memref_slice %arg5[%mul3A_355] : memref<2048xf32, #tpu.memory_space<hbm>> -> memref<128xf32, #tpu.memory_space<hbm>>
        %dma_wait3A_358 = tpu.memref_slice %arg5[%mul3A_355] : memref<2048xf32, #tpu.memory_space<hbm>> -> memref<128xf32, #tpu.memory_space<hbm>>
        tpu.wait_dma2 semaphore(%run_scoped3A_356 : memref<!tpu.dma_semaphore, #tpu.memory_space<semaphore_mem>>) src(%arg8 : memref<128xf32, #tpu.memory_space<vmem>>) dst(%dma_wait3A_358 : memref<128xf32, #tpu.memory_space<hbm>>)
        tpu.yield
      }) : () -> ()
    } else {
    }
    return
  }
}

</mosaic_0001>

<sc_bundles>
// kernel: kernel.3.cloned.1.call-start
scs
__scs_entry_jumppad:
0x0: {  	(pc) =	sbr.rel $0x88, $3  }
0x1: {  	(tag) =	ssettag $0x0;
	lr =	simm.s32 $0x1  }
0x2: {  	[smem:$0x3F9F] =	sst lr;
	_ =	strace $0xD0000000  }
0x3: {  	_ = 	snop  }
0x4: {  	_ = 	snop  }
0x5: {  	_ = 	snop  }
0x6: {  	_ = 	snop  }
0x7: {  	_ = 	snop  }
__scs_overlays_trampoline_lowered:
0x8: {  	[smem:$0x3FAE] =	sst s0  }
0x9: {  	[smem:$0x3FAF] =	sst s1  }
0xa: {  	[smem:$0x3FB0] =	sst s2  }
0xb: {  	[smem:$0x3FB1] =	sst s3  }
0xc: {  	[smem:$0x3FB2] =	sst s4  }
0xd: {  	[smem:$0x3FB3] =	sst s5  }
0xe: {  	[smem:$0x3FB4] =	sst s6  }
0xf: {  	[smem:$0x3FB5] =	sst s7  }
0x10: {  	[smem:$0x3FB6] =	sst s8  }
0x11: {  	[smem:$0x3FB7] =	sst s9;
	s0 =	simm.s32 @!p0 $0x0  }
0x12: {  	s1 =	sld [smem:$0x3F9D];
	s0 =	simm.s32 @p0 $0x1  }
0x13: {  	[smem:$0x3FB8] =	sst s0;
	s0 =	simm.s32 @!p1 $0x0  }
0x14: {  	s2 =	sld [smem:$0x3F9C];
	s0 =	simm.s32 @p1 $0x1  }
0x15: {  	[smem:$0x3FB9] =	sst s0;
	s0 =	simm.s32 @!p2 $0x0  }
0x16: {  	s3 =	sld [smem:$0x3FDB];
	s0 =	simm.s32 @p2 $0x1  }
0x17: {  	s4 =	simm.s32 $0x1BF5;
	[smem:$0x3FBB] =	sst s0  }
0x18: {  	s0 =	sld [smem:$0x3F9E];
	_ =	swait.ge [sflag:s4], $0x0  }
0x19: {  	s7 =	sld [smem:$0x3F9F]  }
0x1a: {  	s8 =	sadd.s32 $0xFFFFE003, lr  }
0x1b: {  	s9 =	sadd.s32 $0xFFFFFEF7, lr;
	s5 =	simm.s32 $0xFFFFFFFF;
	p2 =	slt.u32 s8, $0xFFFFF086  }
0x1c: {  	p1 =	slt.u32 s9, $0xF7A;
	s5 =	simm.s32 @!p2 $0x0  }
0x1d: {  	s5 =	simm.s32 @p1 $0x1;
	p0 =	seq.s32 s7, s2  }
0x1e: {  	s7 =	smul.u32 @!p0 $0xF7A, s2;
	p2 =	seq.s32 @!p0 s5, $0x0  }
0x1f: {  	s9 =	smul.u32 $0xF7A, s1;
	s8 =	simm.s32 @!p0 $0x1BF5;
	p2 =	por !p2, p0  }
0x20: {  	[sflag:s8] =	ssyncset.s32 @!p0 $0xFFFFF086;
	s6 =	sadd.s32 @!p0 s3, s7;
	s7 =	simm.s32 @!p0 $0x108  }
0x21: {  	s3 =	sadd.s32 s3, s9;
	s6 =	sadd.s32 @!p0 $0x88, s6;
	s7 =	simm.s32 @p2 $0x1082  }
0x22: {  	[simem:s7], [sflag:s8] =	dma.local @!p0 [hbm:s6], $0xF7A  }
0x23: {  	s9 =	sor.u32 $0xD0000000, s2;
	s6 =	simm.s32 $0x108;
	_ =	swait.ge @!p0 [sflag:s8], $0x0  }
0x24: {  	s3 =	sadd.s32 $0x88, s3;
	s6 =	simm.s32 @!p1 $0x1082;
	[sflag:s4] =	ssyncset.s32 $0xFFFFF086  }
0x25: {  	[simem:s6], [sflag:s4] =	dma.local [hbm:s3], $0xF7A  }
0x26: {  	[smem:$0x3F9F] =	sst s1;
	(tag) =	ssettag s2;
	_ =	strace s9  }
0x27: {  	s1 =	sld [smem:$0x3FAF]  }
0x28: {  	s2 =	sld [smem:$0x3FB0]  }
0x29: {  	s4 =	sld [smem:$0x3FB2]  }
0x2a: {  	p0 =	seq.s32 s5, $0x0;
	s5 =	sld [smem:$0x3FB3]  }
0x2b: {  	s6 =	sld [smem:$0x3FB4]  }
0x2c: {  	s7 =	sld [smem:$0x3FB5]  }
0x2d: {  	s3 =	simm.s32 $0x108;
	s8 =	sld [smem:$0x3FB6]  }
0x2e: {  	s3 =	simm.s32 @!p0 $0x1082;
	s9 =	sld [smem:$0x3FB7]  }
0x2f: {  	lr =	sadd.s32 s0, s3;
	s0 =	sld [smem:$0x3FAE]  }
0x30: {  	s3 =	sld [smem:$0x3FB1]  }
0x31: {  	[smem:$0x3FBA] =	sst s10  }
0x32: {  	s10 =	sld [smem:$0x3FB8];
	_ =	sdelay $0x3  }
0x33: {  	p0 =	seq.s32 s10, $0x1;
	s10 =	sld [smem:$0x3FBA];
	_ =	sdelay $0x3  }
0x34: {  	[smem:$0x3FBA] =	sst s10  }
0x35: {  	s10 =	sld [smem:$0x3FB9];
	_ =	sdelay $0x3  }
0x36: {  	p1 =	seq.s32 s10, $0x1;
	s10 =	sld [smem:$0x3FBA];
	_ =	sdelay $0x3  }
0x37: {  	[smem:$0x3FBA] =	sst s10  }
0x38: {  	s10 =	sld [smem:$0x3FBB]  }
0x39: {  	_ = 	snop;
	(pc) =	sbr.ind lr, $3  }
0x3a: {  	_ = 	snop  }
0x3b: {  	_ = 	snop  }
0x3c: {  	p2 =	seq.s32 s10, $0x1;
	s10 =	sld [smem:$0x3FBA]  }
0x3d: {  	_ =	shalt  }
0x3e: {  	_ =	shalt  }
0x3f: {  	_ =	shalt  }
0x40: {  	_ =	shalt  }
0x41: {  	_ =	shalt  }
0x42: {  	_ =	shalt  }
0x43: {  	_ =	shalt  }
0x44: {  	_ =	shalt  }
0x45: {  	_ =	shalt  }
0x46: {  	_ =	shalt  }
0x47: {  	_ =	shalt  }
0x48: {  	_ =	shalt  }
0x49: {  	_ =	shalt  }
0x4a: {  	_ =	shalt  }
0x4b: {  	_ =	shalt  }
0x4c: {  	_ =	shalt  }
0x4d: {  	_ =	shalt  }
0x4e: {  	_ =	shalt  }
0x4f: {  	_ =	shalt  }
0x50: {  	_ =	shalt  }
0x51: {  	_ =	shalt  }
0x52: {  	_ =	shalt  }
0x53: {  	_ =	shalt  }
0x54: {  	_ =	shalt  }
0x55: {  	_ =	shalt  }
0x56: {  	_ =	shalt  }
0x57: {  	_ =	shalt  }
0x58: {  	_ =	shalt  }
0x59: {  	_ =	shalt  }
0x5a: {  	_ =	shalt  }
0x5b: {  	_ =	shalt  }
0x5c: {  	_ =	shalt  }
0x5d: {  	_ =	shalt  }
0x5e: {  	_ =	shalt  }
0x5f: {  	_ =	shalt  }
0x60: {  	_ =	shalt  }
0x61: {  	_ =	shalt  }
0x62: {  	_ =	shalt  }
0x63: {  	_ =	shalt  }
0x64: {  	_ =	shalt  }
0x65: {  	_ =	shalt  }
0x66: {  	_ =	shalt  }
0x67: {  	_ =	shalt  }
0x68: {  	_ =	shalt  }
0x69: {  	_ =	shalt  }
0x6a: {  	_ =	shalt  }
0x6b: {  	_ =	shalt  }
0x6c: {  	_ =	shalt  }
0x6d: {  	_ =	shalt  }
0x6e: {  	_ =	shalt  }
0x6f: {  	_ =	shalt  }
0x70: {  	_ =	shalt  }
0x71: {  	_ =	shalt  }
0x72: {  	_ =	shalt  }
0x73: {  	_ =	shalt  }
0x74: {  	_ =	shalt  }
0x75: {  	_ =	shalt  }
0x76: {  	_ =	shalt  }
0x77: {  	_ =	shalt  }
0x78: {  	_ =	shalt  }
0x79: {  	_ =	shalt  }
0x7a: {  	_ =	shalt  }
0x7b: {  	_ =	shalt  }
0x7c: {  	_ =	shalt  }
0x7d: {  	_ =	shalt  }
0x7e: {  	_ =	shalt  }
0x7f: {  	_ =	shalt  }
0x80: {  	_ =	shalt  }
0x81: {  	_ =	shalt  }
0x82: {  	_ =	shalt  }
0x83: {  	_ =	shalt  }
0x84: {  	_ =	shalt  }
0x85: {  	_ =	shalt  }
0x86: {  	_ =	shalt  }
0x87: {  	_ =	shalt  }
.Lfunc_end0:
.L_simem_size_0:
called_computation_lowered:
.L_overlay_start_0:
0x88: {  	s2 =	sld [smem:$0x3FD9]  }
0x89: {  	s3 =	sld [smem:$0x3FFE];
	_ =	sdelay $0x1  }
0x8a: {  	s1 =	srdreg.scid  }
0x8b: {  	s0 =	sand.u32 $0x1, s1  }
0x8c: {  	s17 =	sshll.u32 s0, $0xA;
	s2 =	sadd.s32 s3, s2  }
0x8d: {  	s2 =	sadd.s32 s2, s17  }
0x8e: {  	[smem:$0x3FC6] =	sst s2  }
0x8f: {  	_ = 	snop  }
0x90: {  	s2 =	sld [smem:$0x3FC9]  }
0x91: {  	s18 =	sld [smem:$0x3FD0];
	(tm) =	ssettm $0x1  }
0x92: {  	s4 =	sld [smem:$0x3FFB];
	_ =	sdelay $0x3  }
0x93: {  	_ =	strace s4  }
0x94: {  	s4 =	sld [smem:$0x3FFC];
	_ =	sdelay $0x3  }
0x95: {  	_ =	strace s4  }
0x96: {  	s4 =	sld [smem:$0x3FFD];
	_ =	sdelay $0x3  }
0x97: {  	_ =	strace s4  }
0x98: {  	_ =	strace $0x8FFFFFFF  }
0x99: {  	s19 =	sld [smem:$0x3FDB];
	_ =	sdelay $0x1  }
0x9a: {  	s5 =	simm.s32 $_scs_section_size  }
0x9b: {  	s6 =	simm.s32 $_size__tile_overlayer_lowered;
	s7 =	simm.s32 $_tile_overlayer_lowered  }
0x9c: {  	s22 =	simm.s32 $0x1BFF;
	s21 =	sshll.u32 s7, $0x1;
	s4 =	sadd.s32 s5, s19  }
0x9d: {  	s8 =	simm.s32 $0x0;
	s20 =	sshll.u32 s6, $0x1;
	s6 =	sadd.s32 s21, s4  }
0x9e: {  	[timem:s8], [sflag:s22] =	dma.local [hbm:s6], s20  }
0x9f: {  	_ =	swait.ge [sflag:s22], s20  }
0xa0: {  	s5 =	ssub.s32 $0x0, s20;
	[sflag:s22] =	ssyncset.done $0x0  }
0xa1: {  	[sflag:s22] =	ssyncadd.s32 s5;
	_ =	sdelay $0x1  }
0xa2: {  	s23 =	simm.s32 $0x1B8B  }
0xa3: {  	_ =	swait.ge [sflag:s23], $0x1  }
0xa4: {  	[sflag:s23] =	ssyncset.done $0x0  }
0xa5: {  	s25 =	simm.s32 $0x1B8E;
	s24 =	sld [smem:$0x3FFE];
	[sflag:s23] =	ssyncadd.s32 $0xFFFFFFFF  }
0xa6: {  	s26 =	simm.s32 $execute0_lowered;
	[smem:$0x3FD2] =	sst s25  }
0xa7: {  	s6 =	sshll.u32 s26, $0x1;
	_ =	strace $0x80000046;
	[dreg:$0x1] =	wrdreg $0xFFFFFFFF  }
0xa8: {  	s28 =	simm.s32 $_size_execute0_lowered;
	s4 =	sadd.s32 s4, s6;
	[dreg:$0x0] =	wrdreg $0x0  }
0xa9: {  	s6 =	sshll.u32 s28, $0x1;
	[dreg:$0x2] =	wrdreg s4  }
0xaa: {  	[dreg:$0x3] =	wrdreg s6  }
0xab: {  	[dreg:$0x4] =	wrdreg $0xC0  }
0xac: {  	_ =	task [dreg:s8], $0x5FFFF  }
0xad: {  	[dreg:$0x1] =	wrdreg $0xFFFFFFFF  }
0xae: {  	[dreg:$0x0] =	wrdreg $0x60  }
0xaf: {  	[dreg:$0x2] =	wrdreg s2  }
0xb0: {  	[dreg:$0x3] =	wrdreg s24  }
0xb1: {  	[dreg:$0x4] =	wrdreg s18  }
0xb2: {  	[dreg:$0x5] =	wrdreg $0x101C00  }
0xb3: {  	[dreg:$0x6] =	wrdreg $0x9  }
0xb4: {  	_ =	task.clear_ibuf [dreg:s8], $0x7FFFF;
	_ =	strace $0x90000046  }
0xb5: {  	s29 =	simm.s32 $0x9;
	_ =	strace $0x80000048  }
0xb6: {  	_ =	swait.ge [sflag:s29], $0x1  }
0xb7: {  	[sflag:s29] =	ssyncadd.s32 $0xFFFFFFFF  }
0xb8: {  	_ =	strace $0x90000048  }
0xb9: {  	_ =	sfence  }
0xba: {  	s30 =	sld [smem:$0x0];
	_ =	sdelay $0x2  }
0xbb: {  	s31 =	sshll.u32 s1, $0xD;
	s1 =	sshrl.u32 s1, $0x2  }
0xbc: {  	s3 =	sand.u32 $0x4000, s31;
	s1 =	sadd.s32 s1, s30  }
0xbd: {  	s0 =	sor.u32 s3, s0;
	s1 =	sshll.u32 s1, $0x11  }
0xbe: {  	s0 =	sor.u32 s1, s0  }
0xbf: {  	s0 =	sadd.s32 $0x8F2B, s0  }
0xc0: {  	[sflag:s0] =	ssyncadd.remote.s32 $0x1  }
0xc1: {  	_ =	sfence.sel $0xFFFF  }
0xc2: {  	[dreg:$0x0] =	wrdreg $0xFFFFFFFF;
	(pc) =	sbr.abs _section_cstart, $3  }
0xc3: {  	[dreg:$0x1] =	wrdreg $0xFFFFFFFF  }
0xc4: {  	_ =	task.clear_ibuf [dreg:s8], $0x2FFFF;
	_ =	strace $0x9FFFFFFF  }
0xc5: {  	(tm) =	ssettm $0x7FFFFFFF  }
tec
execute0_lowered:
.L_overlay_start_1:
0x0: {  	(tag) =	ssettag $0x1  }
0x1: {  	s1 =	rddreg [dreg:$0x0]  }
0x2: {  	s0 =	rddreg [dreg:$0x1]  }
0x3: {  	s3 =	rddreg [dreg:$0x2]  }
0x4: {  	s10 =	rddreg [dreg:$0x3];
	s2 =	simm.s32 $0x0;
	s4 =	srdreg.scid  }
0x5: {  	s15 =	stileid.u32;
	s16 =	simm.s32 $0x5;
	s19 =	simm.s32 $0x0  }
0x6: {  	[smem:$0x7FF] =	sst s2;
	s6 =	sand.u32 $0x1, s4;
	s4 =	sadd.s32 $0x800, s0  }
0x7: {  	s5 =	sadd.s32 $0x600, s0;
	s8 =	sshrl.u32 s15, $0x1;
	s9 =	sshll.u32 s15, $0x8  }
0x8: {  	s13 =	sshll.u32 s15, $0x7;
	p0 =	sgt.u32 s15, $0x7;
	_ =	strace $0x80000047  }
0x9: {  	s7 =	ssub.s32 $0x2, s6;
	s11 =	sshll.u32 s6, $0x3;
	s6 =	sand.u32 $0x1, s15  }
.Ltmp0:
0xa: {  	s9 =	sadd.s32 s9, s10;
	s10 =	sadd.s32 s13, s10;
	(pc) =	sbr.rel .LBB2_1-.Ltmp0, $4  }
0xb: {  	s29 =	sshrl.u32 s7, $0x1;
	s30 =	sor.u32 s8, s11;
	s12 =	sor.u32 $0x101A0, s11  }
0xc: {  	s14 =	sadd.s32 s15, s11;
	s11 =	sadd.s32 $0x80, s9;
	s0 =	ssub.s32 s7, s29  }
0xd: {  	s7 =	sor.u32 $0x10180, s30;
	s8 =	sor.u32 s8, s12;
	s31 =	sshll.u32 s14, $0x4  }
0xe: {  	s12 =	sadd.s32 s15, s12;
	s13 =	sadd.s32 s3, s31;
	s14 =	smax.u32 s0, $0x1  }
.LBB2_4:
0xf: {  	v7 =	vimm.f32 $0.0e+00;
	v6 =	vimm.f32 $0.0e+00  }
0x10: {  	v5 =	vimm.f32 $0.0e+00;
	v4 =	vimm.f32 $0.0e+00;
	v3 =	vimm.f32 $0.0e+00  }
0x11: {  	v2 =	vimm.f32 $0.0e+00;
	v1 =	vimm.f32 $0.0e+00;
	v0 =	vimm.f32 $0.0e+00  }
.LBB2_23:
0x12: {  	[tilespmem:$0x10000] =	vst v7  }
0x13: {  	[tilespmem:$0x10010] =	vst v6  }
0x14: {  	[tilespmem:$0x10020] =	vst v5  }
0x15: {  	[tilespmem:$0x10030] =	vst v4  }
0x16: {  	[tilespmem:$0x10040] =	vst v3  }
0x17: {  	[tilespmem:$0x10050] =	vst v2  }
0x18: {  	[tilespmem:$0x10060] =	vst v1  }
0x19: {  	[tilespmem:$0x10070] =	vst v0;
	s0 =	simm.s32 $0x10000  }
0x1a: {  	[spmem:s10] =	stream.linear.scatter [tilespmem:s0], [sflag:$0x5], $0x80, $0x38;
	[tilespmem:$0x10240] =	vst v63  }
0x1b: {  	_ =	swait.ge [sflag:s16], $0x80  }
0x1c: {  	[sflag:s16] =	ssyncset.done $0x0  }
0x1d: {  	[sflag:s16] =	ssyncadd.s32 $0xFFFFFF80  }
0x1e: {  	s3 =	simm.s32 @!p0 $0x5;
	s0 =	simm.s32 @!p0 $0x10080;
	[bflag:$0x0] =	sbarrier.arrive $0xFFFF  }
0x1f: {  	[tilespmem:s0], [sflag:$0x5] =	stream.linear.gather @!p0 [spmem:s9], $0x80, $0x38;
	[tilespmem:$0x10240] =	vst v63  }
0x20: {  	_ =	swait.ge @!p0 [sflag:s3], $0x80  }
0x21: {  	[sflag:s3] =	ssyncset.done @!p0 $0x0  }
0x22: {  	s15 =	simm.s32 @!p0 $0x10100;
	[sflag:s3] =	ssyncadd.s32 @!p0 $0xFFFFFF80  }
0x23: {  	[tilespmem:s15], [sflag:$0x5] =	stream.linear.gather @!p0 [spmem:s11], $0x80, $0x38;
	[tilespmem:$0x10240] =	vst v63  }
0x24: {  	_ =	swait.ge @!p0 [sflag:s3], $0x80  }
0x25: {  	[sflag:s3] =	ssyncset.done @!p0 $0x0  }
0x26: {  	[sflag:s3] =	ssyncadd.s32 @!p0 $0xFFFFFF80  }
0x27: {  	v0 =	vld @!p0 [tilespmem:s12+$0x0];
	_ =	sdelay $0x3  }
0x28: {  	v1 =	vld @!p0 [tilespmem:$0x10080]  }
0x29: {  	v2 =	vld @!p0 [tilespmem:$0x10100];
	v0 =	vcvt.s32.f32 @!p0 v0  }
0x2a: {  	v3 =	vld @!p0 [tilespmem:$0x10090]  }
0x2b: {  	v4 =	vld @!p0 [tilespmem:$0x10110];
	v0 =	vbroadcast @!p0 v0, $0x0  }
0x2c: {  	v5 =	vld @!p0 [tilespmem:$0x100A0]  }
0x2d: {  	v6 =	vld @!p0 [tilespmem:$0x100B0];
	(erf) = vrcp.f32 @!p0 v0  }
0x2e: {  	v7 =	vld @!p0 [tilespmem:$0x10130]  }
0x2f: {  	v8 =	vld @!p0 [tilespmem:$0x100C0]  }
0x30: {  	v9 =	vld @!p0 [tilespmem:$0x10140]  }
0x31: {  	v10 =	vld @!p0 [tilespmem:$0x100D0]  }
0x32: {  	v0 =	vld @!p0 [tilespmem:$0x10120]  }
0x33: {  	v11 =	vld @!p0 [tilespmem:$0x10150]  }
0x34: {  	v12 =	vld @!p0 [tilespmem:$0x100E0]  }
0x35: {  	v1 =	vadd.f32 @!p0 v2, v1;
	v2 =	vld @!p0 [tilespmem:$0x10160]  }
0x36: {  	v3 =	vadd.f32 @!p0 v4, v3;
	v4 =	vld @!p0 [tilespmem:$0x100F0];
	v13 =	vpop @!p0 (erf)  }
0x37: {  	v0 =	vadd.f32 @!p0 v0, v5;
	v5 =	vld @!p0 [tilespmem:$0x10170];
	v1 =	vmul.f32 @!p0 v13, v1  }
0x38: {  	v6 =	vadd.f32 @!p0 v7, v6;
	v3 =	vmul.f32 @!p0 v3, v13  }
0x39: {  	v0 =	vmul.f32 @!p0 v0, v13;
	[tilespmem:$0x10080] =	vst @!p0 v1;
	v1 =	vadd.f32 @!p0 v9, v8  }
0x3a: {  	v6 =	vmul.f32 @!p0 v6, v13;
	[tilespmem:$0x10090] =	vst @!p0 v3;
	v3 =	vadd.f32 @!p0 v11, v10  }
0x3b: {  	[tilespmem:$0x100A0] =	vst @!p0 v0;
	v0 =	vmul.f32 @!p0 v1, v13;
	v1 =	vadd.f32 @!p0 v2, v12  }
0x3c: {  	[tilespmem:$0x100B0] =	vst @!p0 v6;
	v2 =	vmul.f32 @!p0 v3, v13;
	v3 =	vadd.f32 @!p0 v5, v4  }
0x3d: {  	[tilespmem:$0x100C0] =	vst @!p0 v0;
	v0 =	vmul.f32 @!p0 v1, v13  }
0x3e: {  	s19 =	sadd.s32 $0x1, s19;
	[tilespmem:$0x100D0] =	vst @!p0 v2;
	v1 =	vmul.f32 @!p0 v3, v13  }
0x3f: {  	p1 =	sne.s32 s19, s14;
	[tilespmem:$0x100E0] =	vst @!p0 v0  }
.Ltmp1:
0x40: {  	s15 =	simm.s32 @!p0 $0x0;
	[tilespmem:$0x100F0] =	vst @!p0 v1;
	(pc) =	sbr.rel @!p1 .LBB2_24-.Ltmp1, $4  }
0x41: {  	[hbm4b:s13+s15] =	stream.linear.scatter @!p0 [tilespmem:s0], [sflag:$0x5], $0x80, $0x38;
	[tilespmem:$0x10240] =	vst v63  }
0x42: {  	_ =	swait.ge @!p0 [sflag:s3], $0x80  }
0x43: {  	[sflag:s3] =	ssyncset.done @!p0 $0x0  }
0x44: {  	[sflag:s3] =	ssyncadd.s32 @!p0 $0xFFFFFF80  }
.LBB2_1:
0x45: {  	s0 =	simm.s32 $0x10180  }
0x46: {  	[tilespmem:s0], [sflag:$0x5] =	stream.linear.gather [hbm4b:s4+s2], $0x10, $0x38;
	[tilespmem:$0x10240] =	vst v63  }
0x47: {  	_ =	swait.ge [sflag:s16], $0x10  }
0x48: {  	[sflag:s16] =	ssyncset.done $0x0  }
0x49: {  	s23 =	simm.s32 $0x101A0;
	[sflag:s16] =	ssyncadd.s32 $0xFFFFFFF0  }
0x4a: {  	[tilespmem:s23], [sflag:$0x5] =	stream.linear.gather [hbm4b:s5+s2], $0x10, $0x38;
	[tilespmem:$0x10240] =	vst v63  }
0x4b: {  	_ =	swait.ge [sflag:s16], $0x10  }
0x4c: {  	[sflag:s16] =	ssyncset.done $0x0  }
0x4d: {  	[sflag:s16] =	ssyncadd.s32 $0xFFFFFFF0  }
0x4e: {  	v0 =	vld [tilespmem:s7+$0x0]  }
0x4f: {  	v1 =	vld [tilespmem:s8+$0x0];
	_ =	sdelay $0x3  }
0x50: {  	(v2sf) =	vpush v0, $0x0  }
0x51: {  	(v2sf) =	vpush v1, $0x0;
	_ =	sdelay $0xd  }
0x52: {  	s24 =	spop (v2sf)  }
0x53: {  	s3 =	spop (v2sf)  }
0x54: {  	s15 =	sand.u32 $0x1, s3  }
0x55: {  	p1 =	slt.s32 s3, $0x1;
	p2 =	seq.s32 s15, $0x1  }
0x56: {  	s25 =	sshrl.u32 s3, $0x1F;
	p1 =	por !p1, !p2  }
0x57: {  	s20 =	simm.s32 $0x1;
	s15 =	sadd.s32 s25, s3;
	p1 =	por !p1, !p1  }
0x58: {  	s15 =	sshra.s32 s15, $0x1;
	s20 =	simm.s32 @!p1 $0x0  }
0x59: {  	s15 =	ssub.s32 s15, s20  }
0x5a: {  	s20 =	smul.u32 s6, s15;
	_ =	sdelay $0x1  }
0x5b: {  	s20 =	sadd.s32 s24, s20  }
0x5c: {  	s26 =	sshll.u32 s15, $0x1;
	s21 =	sand.u32 $0x7, s20  }
0x5d: {  	s28 =	sshra.s32 s20, $0x1F;
	p4 =	slt.s32 s20, $0x1;
	p3 =	sne.s32 s21, $0x0  }
0x5e: {  	s0 =	ssub.s32 s3, s26;
	s29 =	sshrl.u32 s28, $0x1D;
	p1 =	por !p4, !p3  }
0x5f: {  	s21 =	simm.s32 $0x1;
	s3 =	sadd.s32 s29, s20;
	p1 =	por !p1, !p1  }
0x60: {  	s0 =	smul.u32 s6, s0;
	s3 =	sshrl.u32 s3, $0x3;
	s21 =	simm.s32 @!p1 $0x0  }
0x61: {  	s15 =	sadd.s32 s15, s20;
	s3 =	ssub.s32 s3, s21  }
0x62: {  	s21 =	sadd.s32 s0, s15;
	s22 =	sshll.u32 s3, $0x3  }
0x63: {  	s0 =	ssub.s32 s21, s22  }
0x64: {  	s0 =	sadd.s32 $0x7F, s0  }
0x65: {  	s30 =	sand.u32 $0x7F, s0  }
0x66: {  	s31 =	sshra.s32 s0, $0x1F;
	p6 =	slt.s32 s0, $0x1;
	p5 =	sne.s32 s30, $0x0  }
0x67: {  	s3 =	sshrl.u32 s31, $0x19;
	p1 =	por !p6, !p5  }
0x68: {  	s0 =	sadd.s32 s3, s0;
	s3 =	simm.s32 $0x1;
	p1 =	por !p1, !p1  }
0x69: {  	s0 =	sshra.s32 s0, $0x7;
	s3 =	simm.s32 @!p1 $0x0  }
0x6a: {  	s23 =	ssub.s32 s0, s3  }
0x6b: {  	p1 =	slt.s32 s23, $0x1  }
.Ltmp2:
0x6c: {  	_ = 	snop;
	(pc) =	sbr.rel @p1 .LBB2_3-.Ltmp2, $1  }
0x6d: {  	_ =	sdelay $0x3  }
0x6e: {  	p1 =	slt.s32 s22, $0x7F80;
	s0 =	smov.u32 s22  }
0x6f: {  	s0 =	simm.s32 @!p1 $0x7F80  }
0x70: {  	s0 =	sshll.u32 s0, $0x4  }
0x71: {  	s0 =	sand.u32 $0x1FFFFF80, s0  }
0x72: {  	p1 =	seq.s32 s23, $0x1;
	s0 =	sadd.s32 s1, s0  }
0x73: {  	[tilespmem:s2], [sflag:$0x1] =	stream.linear.gather [hbm4b:s0+s2], $0x4000, $0x38;
	[tilespmem:$0x10240] =	vst v63  }
0x74: {  	s0 =	sadd.s32 @!p1 $0x80, s22  }
0x75: {  	p2 =	slt.s32 @!p1 s0, $0x7F80  }
0x76: {  	p2 =	por !p2, p1  }
0x77: {  	s0 =	simm.s32 @p2 $0x7F80  }
0x78: {  	s0 =	sshll.u32 @!p1 s0, $0x4  }
0x79: {  	s3 =	simm.s32 @!p1 $0x0;
	p2 =	slt.u32 @!p1 s23, $0x3;
	s0 =	sand.u32 @!p1 $0x1FFFFF80, s0  }
0x7a: {  	s15 =	simm.s32 @!p1 $0x4000;
	p3 =	por p2, p1;
	s0 =	sadd.s32 @!p1 s1, s0  }
0x7b: {  	[tilespmem:s15], [sflag:$0x2] =	stream.linear.gather @!p1 [hbm4b:s0+s3], $0x4000, $0x38;
	[tilespmem:$0x10240] =	vst v63  }
0x7c: {  	s0 =	sadd.s32 @!p3 $0x100, s22  }
0x7d: {  	p4 =	slt.s32 @!p3 s0, $0x7F80  }
0x7e: {  	p4 =	por @!p1 !p4, p2  }
0x7f: {  	p4 =	por !p4, p1  }
0x80: {  	s0 =	simm.s32 @!p4 $0x7F80  }
0x81: {  	p4 =	seq.s32 @!p3 s23, $0x3;
	s0 =	sshll.u32 @!p3 s0, $0x4  }
0x82: {  	s3 =	simm.s32 @!p3 $0x0;
	p5 =	por @!p1 p4, p2;
	s0 =	sand.u32 @!p3 $0x1FFFFF80, s0  }
0x83: {  	s15 =	simm.s32 @!p3 $0x8000;
	p5 =	por p5, p1;
	s0 =	sadd.s32 @!p3 s1, s0  }
0x84: {  	[tilespmem:s15], [sflag:$0x3] =	stream.linear.gather @!p3 [hbm4b:s0+s3], $0x4000, $0x38;
	[tilespmem:$0x10240] =	vst v63  }
0x85: {  	s0 =	sadd.s32 @!p5 $0x180, s22  }
0x86: {  	p6 =	slt.s32 @!p5 s0, $0x7F80  }
0x87: {  	p3 =	por @!p3 !p6, p4  }
0x88: {  	p2 =	por @!p1 !p3, p2  }
0x89: {  	p1 =	por !p2, p1  }
0x8a: {  	s0 =	simm.s32 @p1 $0x7F80  }
0x8b: {  	s0 =	sshll.u32 @!p5 s0, $0x4  }
0x8c: {  	s0 =	sand.u32 @!p5 $0x1FFFFF80, s0  }
0x8d: {  	s3 =	simm.s32 @!p5 $0x0;
	s15 =	simm.s32 @!p5 $0xC000;
	s0 =	sadd.s32 @!p5 s1, s0  }
0x8e: {  	[tilespmem:s15], [sflag:$0x4] =	stream.linear.gather @!p5 [hbm4b:s0+s3], $0x4000, $0x38;
	[tilespmem:$0x10240] =	vst v63  }
.LBB2_3:
0x8f: {  	s0 =	sadd.s32 $0x3, s23  }
0x90: {  	s3 =	sand.u32 $0x3, s0  }
0x91: {  	p1 =	slt.s32 s23, $0xFFFFFFFE;
	p2 =	sne.s32 s3, $0x0  }
0x92: {  	s31 =	sshrl.u32 s0, $0x1E;
	p1 =	por !p1, !p2  }
0x93: {  	s0 =	sadd.s32 s31, s0;
	s3 =	simm.s32 $0x1;
	p1 =	por !p1, !p1  }
0x94: {  	s0 =	sshra.s32 s0, $0x2;
	s3 =	simm.s32 @!p1 $0x0  }
0x95: {  	s24 =	ssub.s32 s0, s3  }
0x96: {  	p1 =	slt.s32 s24, $0x1  }
.Ltmp3:
0x97: {  	_ = 	snop;
	(pc) =	sbr.rel @p1 .LBB2_4-.Ltmp3, $1  }
0x98: {  	_ =	sdelay $0x3  }
.Ltmp4:
0x99: {  	(pc) =	sbr.rel .LBB2_6-.Ltmp4, $4  }
0x9a: {  	_ = 	snop  }
0x9b: {  	v0 =	vimm.f32 $0.0e+00;
	v1 =	vimm.f32 $0.0e+00  }
0x9c: {  	s25 =	sadd.s32 $0x80, s22;
	v2 =	vimm.f32 $0.0e+00;
	v3 =	vimm.f32 $0.0e+00;
	v4 =	vimm.f32 $0.0e+00;
	s26 =	sadd.s32 $0x100, s22  }
0x9d: {  	s28 =	sadd.s32 $0x180, s22;
	s29 =	simm.s32 $0x0;
	s30 =	smov.u32 s22;
	v5 =	vimm.f32 $0.0e+00;
	v6 =	vimm.f32 $0.0e+00;
	v7 =	vimm.f32 $0.0e+00  }
.LBB2_21:
0x9e: {  	_ = 	snop  }
0x9f: {  	v4 =	vadd.f32 v9, v4  }
0xa0: {  	v3 =	vadd.f32 v8, v3;
	v2 =	vadd.f32 v10, v2  }
0xa1: {  	v1 =	vadd.f32 v11, v1;
	v7 =	vadd.f32 v12, v7  }
.LBB2_22:
0xa2: {  	s0 =	sadd.s32 $0x7, s31  }
0xa3: {  	p1 =	sge.s32 s0, s23  }
0xa4: {  	s0 =	sshll.u32 @!p1 s0, $0x7  }
0xa5: {  	s0 =	sadd.s32 @!p1 s22, s0  }
0xa6: {  	p2 =	slt.s32 @!p1 s0, $0x7F80  }
0xa7: {  	p2 =	por !p2, p1  }
0xa8: {  	s0 =	simm.s32 @p2 $0x7F80  }
0xa9: {  	s0 =	sshll.u32 @!p1 s0, $0x4  }
0xaa: {  	s29 =	sadd.s32 $0x1, s29;
	s0 =	sand.u32 @!p1 $0x1FFFFF80, s0  }
0xab: {  	s3 =	simm.s32 @!p1 $0x0;
	s15 =	simm.s32 @!p1 $0xC000;
	s0 =	sadd.s32 @!p1 s1, s0  }
0xac: {  	[tilespmem:s15], [sflag:$0x4] =	stream.linear.gather @!p1 [hbm4b:s0+s3], $0x4000, $0x38;
	[tilespmem:$0x10240] =	vst v63  }
0xad: {  	p1 =	sne.s32 s29, s24  }
.Ltmp5:
0xae: {  	_ = 	snop;
	(pc) =	sbr.rel @!p1 .LBB2_23-.Ltmp5, $3  }
0xaf: {  	_ =	sdelay $0x1  }
0xb0: {  	s30 =	sadd.s32 $0x200, s30  }
0xb1: {  	s25 =	sadd.s32 $0x200, s25;
	s26 =	sadd.s32 $0x200, s26;
	s28 =	sadd.s32 $0x200, s28  }
.LBB2_6:
0xb2: {  	s0 =	sshll.u32 s29, $0x9  }
0xb3: {  	s0 =	sadd.s32 s22, s0  }
0xb4: {  	p2 =	sgt.s32 s20, s0;
	s3 =	smov.u32 s0;
	s15 =	sadd.s32 $0x80, s0  }
0xb5: {  	s3 =	smov.u32 @p2 s20;
	p2 =	slt.s32 s0, $0x7F80;
	p3 =	slt.s32 s21, s15  }
0xb6: {  	s0 =	simm.s32 @!p2 $0x7F80;
	s15 =	smov.u32 @p3 s21  }
0xb7: {  	s3 =	ssub.s32 s3, s0;
	s0 =	ssub.s32 s15, s0  }
0xb8: {  	s31 =	sshll.u32 s29, $0x2;
	p2 =	sge.s32 s3, s0  }
.Ltmp6:
0xb9: {  	p1 =	sge.s32 s31, s23;
	(pc) =	sbr.rel @p2 .LBB2_10-.Ltmp6, $4  }
0xba: {  	s17 =	simm.s32 @!p1 $0x1  }
0xbb: {  	_ =	swait.ge @!p1 [sflag:s17], $0x4000  }
0xbc: {  	[sflag:s17] =	ssyncset.done @!p1 $0x0  }
0xbd: {  	[sflag:s17] =	ssyncadd.s32 @!p1 $0xFFFFC000  }
0xbe: {  	p1 =	sgt.s32 s30, s20  }
0xbf: {  	s15 =	smov.u32 s20;
	p2 =	slt.s32 s30, $0x7F80;
	s17 =	smov.u32 s30  }
0xc0: {  	s15 =	smov.u32 @p1 s30;
	s17 =	simm.s32 @!p2 $0x7F80  }
0xc1: {  	s15 =	sshll.u32 s15, $0x9;
	s17 =	sshll.u32 s17, $0x9  }
0xc2: {  	s15 =	ssub.s32 s15, s17  }
0xc3: {  	s15 =	sshra.s32 s15, $0x2  }
0xc4: {  	s15 =	sor.u32 $0x40, s15  }
0xc5: {  	v11 =	vld [tilespmem:s15+$0x30]  }
0xc6: {  	s3 =	sadd.s32 $0x1, s3;
	v12 =	vld [tilespmem:s15+$0xFFFFFFD0]  }
0xc7: {  	p1 =	slt.s32 s3, s0;
	v13 =	vld [tilespmem:s15+$0xFFFFFFE0]  }
.Ltmp7:
0xc8: {  	v9 =	vld [tilespmem:s15+$0xFFFFFFF0];
	(pc) =	sbr.rel @!p1 .LBB2_9-.Ltmp7, $4  }
0xc9: {  	v8 =	vld [tilespmem:s15+$0x0]  }
0xca: {  	v10 =	vld [tilespmem:s15+$0x10]  }
0xcb: {  	v0 =	vadd.f32 v11, v0;
	v11 =	vld [tilespmem:s15+$0x20]  }
0xcc: {  	v6 =	vadd.f32 v12, v6;
	v12 =	vld [tilespmem:s15+$0xFFFFFFC0];
	v5 =	vadd.f32 v13, v5;
	s15 =	sadd.s32 $0x80, s15  }
.LBB2_8:
0xcd: {  	v13 =	vld [tilespmem:s15+$0x30];
	s3 =	sadd.s32 $0x1, s3;
	v4 =	vadd.f32 v9, v4  }
0xce: {  	v14 =	vld [tilespmem:s15+$0xFFFFFFD0];
	p1 =	slt.s32 s3, s0;
	v3 =	vadd.f32 v8, v3  }
0xcf: {  	v15 =	vld [tilespmem:s15+$0xFFFFFFE0];
	v2 =	vadd.f32 v10, v2  }
.Ltmp8:
0xd0: {  	v9 =	vld [tilespmem:s15+$0xFFFFFFF0];
	v1 =	vadd.f32 v11, v1;
	(pc) =	sbr.rel @p1 .LBB2_8-.Ltmp8, $4  }
0xd1: {  	v8 =	vld [tilespmem:s15+$0x0];
	v7 =	vadd.f32 v12, v7  }
0xd2: {  	v10 =	vld [tilespmem:s15+$0x10];
	v0 =	vadd.f32 v13, v0  }
0xd3: {  	v6 =	vadd.f32 v14, v6;
	v11 =	vld [tilespmem:s15+$0x20]  }
0xd4: {  	v12 =	vld [tilespmem:s15+$0xFFFFFFC0];
	v5 =	vadd.f32 v15, v5;
	s15 =	sadd.s32 $0x80, s15  }
.LBB2_9:
0xd5: {  	_ =	sdelay $0x1  }
0xd6: {  	v4 =	vadd.f32 v9, v4  }
0xd7: {  	v3 =	vadd.f32 v8, v3;
	v2 =	vadd.f32 v10, v2  }
0xd8: {  	v1 =	vadd.f32 v11, v1;
	v7 =	vadd.f32 v12, v7  }
.LBB2_10:
0xd9: {  	s0 =	sadd.s32 $0x4, s31  }
0xda: {  	p1 =	sge.s32 s0, s23  }
0xdb: {  	s0 =	sshll.u32 @!p1 s0, $0x7  }
0xdc: {  	s0 =	sadd.s32 @!p1 s22, s0  }
0xdd: {  	p2 =	slt.s32 @!p1 s0, $0x7F80  }
0xde: {  	p2 =	por !p2, p1  }
0xdf: {  	s17 =	sor.u32 $0x1, s31;
	s0 =	simm.s32 @p2 $0x7F80  }
0xe0: {  	s18 =	sshll.u32 s17, $0x7;
	s0 =	sshll.u32 @!p1 s0, $0x4  }
0xe1: {  	s15 =	sadd.s32 s22, s18;
	s0 =	sand.u32 @!p1 $0x1FFFFF80, s0  }
0xe2: {  	s3 =	simm.s32 @!p1 $0x0;
	p2 =	sgt.s32 s20, s15;
	s0 =	sadd.s32 @!p1 s1, s0  }
0xe3: {  	[tilespmem:s3], [sflag:$0x1] =	stream.linear.gather @!p1 [hbm4b:s0+s3], $0x4000, $0x38;
	[tilespmem:$0x10240] =	vst v63  }
0xe4: {  	p1 =	sge.s32 s17, s23;
	s0 =	smov.u32 s15;
	s17 =	sadd.s32 $0x80, s15  }
0xe5: {  	s0 =	smov.u32 @p2 s20;
	p2 =	slt.s32 s15, $0x7F80;
	p3 =	slt.s32 s21, s17  }
0xe6: {  	s15 =	simm.s32 @!p2 $0x7F80;
	s17 =	smov.u32 @p3 s21  }
0xe7: {  	s3 =	ssub.s32 s0, s15;
	s0 =	ssub.s32 s17, s15  }
0xe8: {  	p2 =	sge.s32 s3, s0  }
.Ltmp9:
0xe9: {  	_ = 	snop;
	(pc) =	sbr.rel @p2 .LBB2_14-.Ltmp9, $4  }
0xea: {  	s18 =	simm.s32 @!p1 $0x2  }
0xeb: {  	_ =	swait.ge @!p1 [sflag:s18], $0x4000  }
0xec: {  	[sflag:s18] =	ssyncset.done @!p1 $0x0  }
0xed: {  	[sflag:s18] =	ssyncadd.s32 @!p1 $0xFFFFC000  }
0xee: {  	p1 =	sgt.s32 s25, s20  }
0xef: {  	s15 =	smov.u32 s20;
	p2 =	slt.s32 s25, $0x7F80;
	s17 =	smov.u32 s25  }
0xf0: {  	s15 =	smov.u32 @p1 s25;
	s17 =	simm.s32 @!p2 $0x7F80  }
0xf1: {  	s15 =	sshll.u32 s15, $0x9;
	s17 =	sshll.u32 s17, $0x9  }
0xf2: {  	s15 =	ssub.s32 s15, s17  }
0xf3: {  	s15 =	sshra.s32 s15, $0x2  }
0xf4: {  	s15 =	sadd.s32 $0x4000, s15  }
0xf5: {  	v11 =	vld [tilespmem:s15+$0x70]  }
0xf6: {  	s3 =	sadd.s32 $0x1, s3;
	v12 =	vld [tilespmem:s15+$0x10]  }
0xf7: {  	p1 =	slt.s32 s3, s0;
	v13 =	vld [tilespmem:s15+$0x20]  }
.Ltmp10:
0xf8: {  	v9 =	vld [tilespmem:s15+$0x30];
	(pc) =	sbr.rel @!p1 .LBB2_13-.Ltmp10, $4  }
0xf9: {  	v8 =	vld [tilespmem:s15+$0x40]  }
0xfa: {  	v10 =	vld [tilespmem:s15+$0x50]  }
0xfb: {  	v0 =	vadd.f32 v11, v0;
	v11 =	vld [tilespmem:s15+$0x60]  }
0xfc: {  	v6 =	vadd.f32 v12, v6;
	v12 =	vld [tilespmem:s15+$0x0];
	v5 =	vadd.f32 v13, v5;
	s15 =	sadd.s32 $0x80, s15  }
.LBB2_12:
0xfd: {  	v13 =	vld [tilespmem:s15+$0x70];
	s3 =	sadd.s32 $0x1, s3;
	v4 =	vadd.f32 v9, v4  }
0xfe: {  	v14 =	vld [tilespmem:s15+$0x10];
	p1 =	slt.s32 s3, s0;
	v3 =	vadd.f32 v8, v3  }
0xff: {  	v15 =	vld [tilespmem:s15+$0x20];
	v2 =	vadd.f32 v10, v2  }
.Ltmp11:
0x100: {  	v9 =	vld [tilespmem:s15+$0x30];
	v1 =	vadd.f32 v11, v1;
	(pc) =	sbr.rel @p1 .LBB2_12-.Ltmp11, $4  }
0x101: {  	v8 =	vld [tilespmem:s15+$0x40];
	v7 =	vadd.f32 v12, v7  }
0x102: {  	v10 =	vld [tilespmem:s15+$0x50];
	v0 =	vadd.f32 v13, v0  }
0x103: {  	v6 =	vadd.f32 v14, v6;
	v11 =	vld [tilespmem:s15+$0x60]  }
0x104: {  	v12 =	vld [tilespmem:s15+$0x0];
	v5 =	vadd.f32 v15, v5;
	s15 =	sadd.s32 $0x80, s15  }
.LBB2_13:
0x105: {  	_ =	sdelay $0x1  }
0x106: {  	v4 =	vadd.f32 v9, v4  }
0x107: {  	v3 =	vadd.f32 v8, v3;
	v2 =	vadd.f32 v10, v2  }
0x108: {  	v1 =	vadd.f32 v11, v1;
	v7 =	vadd.f32 v12, v7  }
.LBB2_14:
0x109: {  	s0 =	sadd.s32 $0x5, s31  }
0x10a: {  	p1 =	sge.s32 s0, s23  }
0x10b: {  	s0 =	sshll.u32 @!p1 s0, $0x7  }
0x10c: {  	s0 =	sadd.s32 @!p1 s22, s0  }
0x10d: {  	p2 =	slt.s32 @!p1 s0, $0x7F80  }
0x10e: {  	p2 =	por !p2, p1  }
0x10f: {  	s0 =	simm.s32 @p2 $0x7F80  }
0x110: {  	s17 =	sor.u32 $0x2, s31;
	s0 =	sshll.u32 @!p1 s0, $0x4  }
0x111: {  	s18 =	sshll.u32 s17, $0x7;
	s0 =	sand.u32 @!p1 $0x1FFFFF80, s0  }
0x112: {  	s3 =	simm.s32 @!p1 $0x0;
	s15 =	simm.s32 @!p1 $0x4000;
	s0 =	sadd.s32 @!p1 s1, s0  }
0x113: {  	[tilespmem:s15], [sflag:$0x2] =	stream.linear.gather @!p1 [hbm4b:s0+s3], $0x4000, $0x38;
	[tilespmem:$0x10240] =	vst v63  }
0x114: {  	s15 =	sadd.s32 s22, s18;
	p1 =	sge.s32 s17, s23  }
0x115: {  	p2 =	sgt.s32 s20, s15;
	s0 =	smov.u32 s15;
	s17 =	sadd.s32 $0x80, s15  }
0x116: {  	s0 =	smov.u32 @p2 s20;
	p2 =	slt.s32 s15, $0x7F80;
	p3 =	slt.s32 s21, s17  }
0x117: {  	s15 =	simm.s32 @!p2 $0x7F80;
	s17 =	smov.u32 @p3 s21  }
0x118: {  	s3 =	ssub.s32 s0, s15;
	s0 =	ssub.s32 s17, s15  }
0x119: {  	p2 =	sge.s32 s3, s0  }
.Ltmp12:
0x11a: {  	_ = 	snop;
	(pc) =	sbr.rel @p2 .LBB2_18-.Ltmp12, $4  }
0x11b: {  	s18 =	simm.s32 @!p1 $0x3  }
0x11c: {  	_ =	swait.ge @!p1 [sflag:s18], $0x4000  }
0x11d: {  	[sflag:s18] =	ssyncset.done @!p1 $0x0  }
0x11e: {  	[sflag:s18] =	ssyncadd.s32 @!p1 $0xFFFFC000  }
0x11f: {  	p1 =	sgt.s32 s26, s20  }
0x120: {  	s15 =	smov.u32 s20;
	p2 =	slt.s32 s26, $0x7F80;
	s17 =	smov.u32 s26  }
0x121: {  	s15 =	smov.u32 @p1 s26;
	s17 =	simm.s32 @!p2 $0x7F80  }
0x122: {  	s15 =	sshll.u32 s15, $0x9;
	s17 =	sshll.u32 s17, $0x9  }
0x123: {  	s15 =	ssub.s32 s15, s17  }
0x124: {  	s15 =	sshra.s32 s15, $0x2  }
0x125: {  	s15 =	sadd.s32 $0x8000, s15  }
0x126: {  	v11 =	vld [tilespmem:s15+$0x70]  }
0x127: {  	s3 =	sadd.s32 $0x1, s3;
	v12 =	vld [tilespmem:s15+$0x10]  }
0x128: {  	p1 =	slt.s32 s3, s0;
	v13 =	vld [tilespmem:s15+$0x20]  }
.Ltmp13:
0x129: {  	v9 =	vld [tilespmem:s15+$0x30];
	(pc) =	sbr.rel @!p1 .LBB2_17-.Ltmp13, $4  }
0x12a: {  	v8 =	vld [tilespmem:s15+$0x40]  }
0x12b: {  	v10 =	vld [tilespmem:s15+$0x50]  }
0x12c: {  	v0 =	vadd.f32 v11, v0;
	v11 =	vld [tilespmem:s15+$0x60]  }
0x12d: {  	v6 =	vadd.f32 v12, v6;
	v12 =	vld [tilespmem:s15+$0x0];
	v5 =	vadd.f32 v13, v5;
	s15 =	sadd.s32 $0x80, s15  }
.LBB2_16:
0x12e: {  	v13 =	vld [tilespmem:s15+$0x70];
	s3 =	sadd.s32 $0x1, s3;
	v4 =	vadd.f32 v9, v4  }
0x12f: {  	v14 =	vld [tilespmem:s15+$0x10];
	p1 =	slt.s32 s3, s0;
	v3 =	vadd.f32 v8, v3  }
0x130: {  	v15 =	vld [tilespmem:s15+$0x20];
	v2 =	vadd.f32 v10, v2  }
.Ltmp14:
0x131: {  	v9 =	vld [tilespmem:s15+$0x30];
	v1 =	vadd.f32 v11, v1;
	(pc) =	sbr.rel @p1 .LBB2_16-.Ltmp14, $4  }
0x132: {  	v8 =	vld [tilespmem:s15+$0x40];
	v7 =	vadd.f32 v12, v7  }
0x133: {  	v10 =	vld [tilespmem:s15+$0x50];
	v0 =	vadd.f32 v13, v0  }
0x134: {  	v6 =	vadd.f32 v14, v6;
	v11 =	vld [tilespmem:s15+$0x60]  }
0x135: {  	v12 =	vld [tilespmem:s15+$0x0];
	v5 =	vadd.f32 v15, v5;
	s15 =	sadd.s32 $0x80, s15  }
.LBB2_17:
0x136: {  	_ =	sdelay $0x1  }
0x137: {  	v4 =	vadd.f32 v9, v4  }
0x138: {  	v3 =	vadd.f32 v8, v3;
	v2 =	vadd.f32 v10, v2  }
0x139: {  	v1 =	vadd.f32 v11, v1;
	v7 =	vadd.f32 v12, v7  }
.LBB2_18:
0x13a: {  	s0 =	sadd.s32 $0x6, s31  }
0x13b: {  	p1 =	sge.s32 s0, s23  }
0x13c: {  	s0 =	sshll.u32 @!p1 s0, $0x7  }
0x13d: {  	s0 =	sadd.s32 @!p1 s22, s0  }
0x13e: {  	p2 =	slt.s32 @!p1 s0, $0x7F80  }
0x13f: {  	p2 =	por !p2, p1  }
0x140: {  	s0 =	simm.s32 @p2 $0x7F80  }
0x141: {  	s17 =	sor.u32 $0x3, s31;
	s0 =	sshll.u32 @!p1 s0, $0x4  }
0x142: {  	s18 =	sshll.u32 s17, $0x7;
	s0 =	sand.u32 @!p1 $0x1FFFFF80, s0  }
0x143: {  	s3 =	simm.s32 @!p1 $0x0;
	s15 =	simm.s32 @!p1 $0x8000;
	s0 =	sadd.s32 @!p1 s1, s0  }
0x144: {  	[tilespmem:s15], [sflag:$0x3] =	stream.linear.gather @!p1 [hbm4b:s0+s3], $0x4000, $0x38;
	[tilespmem:$0x10240] =	vst v63  }
0x145: {  	s15 =	sadd.s32 s22, s18;
	p1 =	sge.s32 s17, s23  }
0x146: {  	p2 =	sgt.s32 s20, s15;
	s0 =	smov.u32 s15;
	s17 =	sadd.s32 $0x80, s15  }
0x147: {  	s0 =	smov.u32 @p2 s20;
	p2 =	slt.s32 s15, $0x7F80;
	p3 =	slt.s32 s21, s17  }
0x148: {  	s15 =	simm.s32 @!p2 $0x7F80;
	s17 =	smov.u32 @p3 s21  }
0x149: {  	s3 =	ssub.s32 s0, s15;
	s0 =	ssub.s32 s17, s15  }
0x14a: {  	p2 =	sge.s32 s3, s0  }
.Ltmp15:
0x14b: {  	_ = 	snop;
	(pc) =	sbr.rel @p2 .LBB2_22-.Ltmp15, $4  }
0x14c: {  	s18 =	simm.s32 @!p1 $0x4  }
0x14d: {  	_ =	swait.ge @!p1 [sflag:s18], $0x4000  }
0x14e: {  	[sflag:s18] =	ssyncset.done @!p1 $0x0  }
0x14f: {  	[sflag:s18] =	ssyncadd.s32 @!p1 $0xFFFFC000  }
0x150: {  	p1 =	sgt.s32 s28, s20  }
0x151: {  	s15 =	smov.u32 s20;
	p2 =	slt.s32 s28, $0x7F80;
	s17 =	smov.u32 s28  }
0x152: {  	s15 =	smov.u32 @p1 s28;
	s17 =	simm.s32 @!p2 $0x7F80  }
0x153: {  	s15 =	sshll.u32 s15, $0x9;
	s17 =	sshll.u32 s17, $0x9  }
0x154: {  	s15 =	ssub.s32 s15, s17  }
0x155: {  	s15 =	sshra.s32 s15, $0x2  }
0x156: {  	s15 =	sadd.s32 $0xC000, s15  }
0x157: {  	v11 =	vld [tilespmem:s15+$0x70]  }
0x158: {  	v12 =	vld [tilespmem:s15+$0x10]  }
0x159: {  	s3 =	sadd.s32 $0x1, s3;
	v13 =	vld [tilespmem:s15+$0x20]  }
0x15a: {  	p1 =	slt.s32 s3, s0;
	v9 =	vld [tilespmem:s15+$0x30]  }
.Ltmp16:
0x15b: {  	v8 =	vld [tilespmem:s15+$0x40];
	(pc) =	sbr.rel @!p1 .LBB2_21-.Ltmp16, $4  }
0x15c: {  	v10 =	vld [tilespmem:s15+$0x50]  }
0x15d: {  	v0 =	vadd.f32 v11, v0;
	v11 =	vld [tilespmem:s15+$0x60]  }
0x15e: {  	v6 =	vadd.f32 v12, v6;
	v12 =	vld [tilespmem:s15+$0x0]  }
0x15f: {  	v5 =	vadd.f32 v13, v5;
	s15 =	sadd.s32 $0x80, s15  }
.LBB2_20:
0x160: {  	v13 =	vld [tilespmem:s15+$0x70];
	s3 =	sadd.s32 $0x1, s3;
	v4 =	vadd.f32 v9, v4  }
0x161: {  	v3 =	vadd.f32 v8, v3;
	v14 =	vld [tilespmem:s15+$0x10];
	p1 =	slt.s32 s3, s0  }
0x162: {  	v2 =	vadd.f32 v10, v2;
	v15 =	vld [tilespmem:s15+$0x20]  }
.Ltmp17:
0x163: {  	v1 =	vadd.f32 v11, v1;
	v9 =	vld [tilespmem:s15+$0x30];
	(pc) =	sbr.rel @p1 .LBB2_20-.Ltmp17, $4  }
0x164: {  	v7 =	vadd.f32 v12, v7;
	v8 =	vld [tilespmem:s15+$0x40]  }
0x165: {  	v10 =	vld [tilespmem:s15+$0x50];
	v0 =	vadd.f32 v13, v0  }
0x166: {  	v6 =	vadd.f32 v14, v6;
	v11 =	vld [tilespmem:s15+$0x60]  }
0x167: {  	v12 =	vld [tilespmem:s15+$0x0];
	v5 =	vadd.f32 v15, v5;
	s15 =	sadd.s32 $0x80, s15  }
.Ltmp18:
0x168: {  	_ = 	snop;
	(pc) =	sbr.rel .LBB2_21-.Ltmp18, $1  }
0x169: {  	_ =	sdelay $0x3  }
.LBB2_24:
0x16a: {  	_ =	sfence.sel $0x180000  }
0x16b: {  	[bflag:$0x0] =	sbarrier.arrive $0xFFFF  }
0x16c: {  	_ =	strace $0x90000047  }
0x16d: {  	s0 =	stileid.u32;
	[bflag:$0x2] =	sbarrier.arrive $0xFFFF  }
0x16e: {  	p0 =	sne.s32 s0, $0x0;
	s0 =	rddreg [dreg:$0x4]  }
0x16f: {  	s0 =	sadd.s32 @!p0 $0x100000, s0  }
0x170: {  	[sflag:s0] =	ssyncadd.tile.s32 @!p0 $0x1;
	_ =	shalt  }
.Lfunc_end2:
_tile_overlayer_lowered:
.L_overlay_start_2:
0x171: {  	(tag) =	ssettag $0x2  }
0x172: {  	s0 =	rddreg [dreg:$0x0];
	s2 =	stileid.u32  }
0x173: {  	s1 =	rddreg [dreg:$0x1];
	p0 =	sne.s32 s2, $0x0  }
0x174: {  	s3 =	rddreg [dreg:$0x2];
	[bflag:$0x3] =	sbarrier.arrive $0xFFFF;
	s2 =	simm.s32 @!p0 $0x1C05  }
0x175: {  	[timem:s3], [sflag:s2] =	dma.local @!p0 [hbm:s0], s1  }
0x176: {  	s0 =	simm.s32 @!p0 $0x5  }
0x177: {  	_ =	swait.ge @!p0 [sflag:s0], s1  }
0x178: {  	s1 =	ssub.s32 @!p0 $0x0, s1;
	[sflag:s0] =	ssyncset.done @!p0 $0x0  }
0x179: {  	[sflag:s0] =	ssyncadd.s32 @!p0 s1  }
0x17a: {  	[bflag:$0x3] =	sbarrier.arrive $0xFFFF  }
0x17b: {  	_ =	shalt  }

</sc_bundles>
